<compile_context>
chip_gen: v7x
topology: tpu7x:2x2x1
jax: 0.10.2.dev20260603
libtpu: 0.0.44.dev20260713+nightly
codegen_flags: <defaults>
</compile_context>

<pallas_src>
import functools

import jax
import jax.numpy as jnp
from jax import lax
from jax.experimental import pallas as pl
from jax.experimental.pallas import tpu as pltpu
from jax.experimental.pallas import tpu_sc as plsc

N = 10000
E = 320000
D = 128

NP = 10240
EP = 327680
EPR = EP // 128
NW = 32
RPT = EPR // NW
NPT = NP // 16
BM = 2048

_mesh = plsc.VectorSubcoreMesh(core_axis_name="c", subcore_axis_name="s")


@functools.partial(
    pl.kernel,
    out_type=jax.ShapeDtypeStruct((2, NP, 16), jnp.float32),
    mesh=_mesh,
    scratch_types=[
        pltpu.VMEM((RPT, 128), jnp.int32),
        pltpu.VMEM((128, 16), jnp.float32),
        pltpu.VMEM_SHARED((NP, 16), jnp.float32),
    ],
)
def _deg_kernel(dstp, zdeg, out, di_v, ones_v, acc_sp):
    c = lax.axis_index("c")
    s = lax.axis_index("s")

    def fill_ones(i, carry):
        ones_v[i] = jnp.ones((16,), jnp.float32)
        return carry

    lax.fori_loop(0, 128, fill_ones, 0)

    base = s * NPT
    pltpu.sync_copy(zdeg.at[pl.ds(base, NPT)], acc_sp.at[pl.ds(base, NPT)])
    plsc.subcore_barrier()

    row0 = c * (EPR // 2) + s * RPT
    pltpu.sync_copy(dstp.at[pl.ds(row0, RPT)], di_v)

    def step(j, carry):
        pltpu.sync_copy(ones_v, acc_sp.at[di_v.at[j]], add=True)
        return carry

    lax.fori_loop(0, RPT, step, 0)
    plsc.subcore_barrier()
    pltpu.sync_copy(acc_sp.at[pl.ds(base, NPT)], out.at[c, pl.ds(base, NPT)])


NT = 10000
HALF = NP // 2
AR = 5248
ART = AR // 16
EC = EP // 32
CPT = EC // 16
IB = 8


@functools.partial(
    pl.kernel,
    out_type=jax.ShapeDtypeStruct((2, AR, D), jnp.float32),
    mesh=_mesh,
    scratch_types=[
        pltpu.VMEM((IB, 32), jnp.int32),
        pltpu.VMEM((IB, 32), jnp.int32),
        pltpu.VMEM((IB, 32), jnp.int32),
        pltpu.VMEM((32, D), jnp.float32),
        pltpu.SemaphoreType.DMA,
        pltpu.VMEM_SHARED((NT, D), jnp.float32),
        pltpu.VMEM_SHARED((AR, D), jnp.float32),
    ],
)
def _mp_kernel(g, srcp, dstp, znode, out, si_v, di_v, dl_v, rows_v, sem,
               tab_sp, acc_sp):
    c = lax.axis_index("c")
    s = lax.axis_index("s")

    abase = s * ART
    pltpu.sync_copy(znode.at[pl.ds(0, ART)], acc_sp.at[pl.ds(abase, ART)])

    @pl.when(s < 15)
    def _stage():
        pltpu.sync_copy(g.at[pl.ds(s * 632, 632)],
                        tab_sp.at[pl.ds(s * 632, 632)])

    @pl.when(s == 15)
    def _stage_tail():
        pltpu.sync_copy(g.at[pl.ds(15 * 632, NT - 15 * 632)],
                        tab_sp.at[pl.ds(15 * 632, NT - 15 * 632)])

    plsc.subcore_barrier()

    row0 = s * CPT
    dbase = c * HALF

    def outer(q, carry):
        r = row0 + q * IB
        pltpu.sync_copy(srcp.at[pl.ds(r, IB)], si_v)
        pltpu.sync_copy(dstp.at[pl.ds(r, IB)], di_v)
        for j in range(IB):
            for h in range(2):
                v = di_v[j, pl.ds(h * 16, 16)]
                inr = (v >= dbase) & (v < dbase + HALF)
                dl_v[j, pl.ds(h * 16, 16)] = jnp.where(
                    inr, v - dbase, HALF + 7)

        def step(j, carry2):
            pltpu.async_copy(tab_sp.at[si_v.at[j]], rows_v, sem).wait()
            pltpu.sync_copy(rows_v, acc_sp.at[dl_v.at[j]], add=True)
            return carry2

        lax.fori_loop(0, IB, step, 0)
        return carry

    lax.fori_loop(0, CPT // IB, outer, 0)
    plsc.subcore_barrier()
    pltpu.sync_copy(acc_sp.at[pl.ds(abase, ART)], out.at[c, pl.ds(abase, ART)])


def _mm_body(x_ref, w_ref, o_ref):
    o_ref[...] = jnp.dot(x_ref[...], w_ref[...],
                         preferred_element_type=jnp.float32,
                         precision=lax.Precision.HIGHEST)


_mm_call = pl.pallas_call(
    _mm_body,
    grid=(NP // BM,),
    in_specs=[
        pl.BlockSpec((BM, D), lambda i: (i, 0)),
        pl.BlockSpec((D, D), lambda i: (0, 0)),
    ],
    out_specs=pl.BlockSpec((BM, D), lambda i: (i, 0)),
    out_shape=jax.ShapeDtypeStruct((NP, D), jnp.float32),
)


def _scale_body(h_ref, d0_ref, d1_ref, g_ref, gn_ref):
    deg = d0_ref[0, :, :1] + d1_ref[0, :, :1] + 1.0
    norm = lax.rsqrt(deg)
    gv = h_ref[...] * norm
    g_ref[...] = gv
    gn_ref[...] = gv * norm


_scale_call = pl.pallas_call(
    _scale_body,
    grid=(NP // BM,),
    in_specs=[
        pl.BlockSpec((BM, D), lambda i: (i, 0)),
        pl.BlockSpec((1, BM, 16), lambda i: (0, i, 0)),
        pl.BlockSpec((1, BM, 16), lambda i: (1, i, 0)),
    ],
    out_specs=[
        pl.BlockSpec((BM, D), lambda i: (i, 0)),
        pl.BlockSpec((BM, D), lambda i: (i, 0)),
    ],
    out_shape=[
        jax.ShapeDtypeStruct((NP, D), jnp.float32),
        jax.ShapeDtypeStruct((NP, D), jnp.float32),
    ],
)


BO = 1024


def _out_body(a_ref, d0_ref, d1_ref, gn_ref, b_ref, o_ref):
    deg = d0_ref[0, :, :1] + d1_ref[0, :, :1] + 1.0
    norm = lax.rsqrt(deg)
    o_ref[...] = a_ref[0] * norm + gn_ref[...] + b_ref[...]


_out_call = pl.pallas_call(
    _out_body,
    grid=(NP // BO,),
    in_specs=[
        pl.BlockSpec((1, BO, D), lambda i: (i // 5, i % 5, 0)),
        pl.BlockSpec((1, BO, 16), lambda i: (0, i, 0)),
        pl.BlockSpec((1, BO, 16), lambda i: (1, i, 0)),
        pl.BlockSpec((BO, D), lambda i: (i, 0)),
        pl.BlockSpec((D,), lambda i: (0,)),
    ],
    out_specs=pl.BlockSpec((BO, D), lambda i: (i, 0)),
    out_shape=jax.ShapeDtypeStruct((NP, D), jnp.float32),
)


def kernel(x, edge_index, weight, bias):
    src = edge_index[0]
    dst = edge_index[1]
    pad = EP - E
    src_p = jnp.concatenate(
        [src, jnp.zeros((pad,), jnp.int32)]).reshape(EC, 32)
    dst_p = jnp.concatenate(
        [dst, jnp.full((pad,), N, jnp.int32)]).reshape(EC, 32)
    dst_p128 = jnp.reshape(dst_p, (EPR, 128))
    x_p = jnp.pad(x, ((0, NP - N), (0, 0)))

    zdeg = jnp.zeros((NP, 16), jnp.float32)
    znode = jnp.zeros((NP, D), jnp.float32)

    degp = _deg_kernel(dst_p128, zdeg)
    h = _mm_call(x_p, weight)
    g, gn = _scale_call(h, degp, degp)
    accp = _mp_kernel(g, src_p, dst_p, znode)
    out = _out_call(accp, degp, degp, gn, bias)
    return out[:N]

# --- scband reference (transcript-rebuilt; emitter-appended) ---
"""Pipeline reference for scband-custom-graph-conv-dgl-23776938951360 (READ-ONLY COPY).

The authoritative reference and input builder live on the scoring server;
editing this copy changes nothing except your own understanding.
"""

import jax, jax.numpy as jnp
import numpy as np

N = 10000
E = 320000
D_IN = 128
D_OUT = 128


def setup_inputs(seed: int = 0) -> dict:
    key = jax.random.key(seed)
    k1, k2, k3 = jax.random.split(key, 3)
    x = jax.random.normal(k1, (N, D_IN), dtype=jnp.float32)
    edge_index = jax.random.randint(k2, (2, E), 0, N, dtype=jnp.int32)
    # xavier_uniform for weight
    limit = float(np.sqrt(6.0 / (D_IN + D_OUT)))
    weight = jax.random.uniform(k3, (D_IN, D_OUT), dtype=jnp.float32, minval=-limit, maxval=limit)
    bias = jnp.zeros((D_OUT,), dtype=jnp.float32)
    return {"x": x, "edge_index": edge_index, "weight": weight, "bias": bias}


def reference(x, edge_index, weight, bias):
    n = x.shape[0]
    # linear transform
    h = x @ weight
    src = edge_index[0]
    dst = edge_index[1]
    # add self loops (dgl.add_self_loop appends N self-loop edges)
    loop = jnp.arange(n, dtype=src.dtype)
    src_full = jnp.concatenate([src, loop], axis=0)
    dst_full = jnp.concatenate([dst, loop], axis=0)
    # edge weights: ones for original edges, loop_weight=1.0 (improved=False)
    ew = jnp.ones((src_full.shape[0],), dtype=jnp.float32)
    # deg = sum of incoming edge weights at dst (copy_e + sum reduce)
    deg = jax.ops.segment_sum(ew, dst_full, num_segments=n)
    deg_inv_sqrt = jnp.power(deg, -0.5)
    deg_inv_sqrt = jnp.where(jnp.isinf(deg_inv_sqrt), 0.0, deg_inv_sqrt)
    # norm_w = norm[src] * w * norm[dst]
    norm_w = deg_inv_sqrt[src_full] * ew * deg_inv_sqrt[dst_full]
    # message passing: u_mul_e then sum at dst
    m = h[src_full] * norm_w[:, None]
    out = jax.ops.segment_sum(m, dst_full, num_segments=n)
    out = out + bias
    return out

if __name__ == "__main__":
    import jax
    _d = setup_inputs()
    print(jax.jit(kernel)(*tuple(_d.values())))

</pallas_src>

<mosaic_0001>
#map = affine_map<(d0, d1) -> (0, 0)>
#map1 = affine_map<(d0, d1) -> (0, 0, 0)>
module attributes {stable_mosaic.version = 14 : i64} {
  func.func @_deg_kernel(%arg0: i32, %arg1: i32, %arg2: memref<2560x128xi32, #tpu.memory_space<hbm>>, %arg3: memref<10240x16xf32, #tpu.memory_space<hbm>>, %arg4: memref<2x10240x16xf32, #tpu.memory_space<hbm>>, %arg5: memref<80x128xi32, #tpu.memory_space<vmem>>, %arg6: memref<128x16xf32, #tpu.memory_space<vmem>>, %arg7: memref<10240x16xf32, #tpu.memory_space<vmem_shared>>) attributes {dimension_semantics = [#tpu.dimension_semantics<core_parallel>, #tpu.dimension_semantics<subcore_parallel>], iteration_bounds = array<i64: 2, 16>, scalar_prefetch = 0 : i64, scratch_operands = 3 : i64, tpu.core_type = #tpu.core_type<sc_vector_subcore>, window_params = [{transform_indices = #map}, {transform_indices = #map}, {transform_indices = #map1}]} {
    %scan3A = arith.constant 0 : i32
    %scan3A_0 = arith.constant 0 : i32
    %scan3A_1 = arith.constant 128 : i32
    %scan3A_2 = arith.addi %scan3A_0, %scan3A_1 : i32
    %scan3A_3 = arith.constant 1 : i32
    scf.for %scan3A_17 = %scan3A_0 to %scan3A_2 step %scan3A_3  : i32 {
      %broadcast_in_dim3A = arith.constant 1.000000e+00 : f32
      %broadcast_in_dim3A_18 = vector.broadcast %broadcast_in_dim3A : f32 to vector<16xf32>
      %swap3A = arith.index_cast %scan3A_17 : i32 to index
      %swap3A_19 = arith.constant 0 : index
      %swap3A_20 = tpu.vector_load %arg6[%swap3A, %swap3A_19] {strides = array<i32>} : memref<128x16xf32, #tpu.memory_space<vmem>>, vector<1x16xf32>,
      %swap3A_21 = vector.shape_cast %swap3A_20 : vector<1x16xf32> to vector<16xf32>
      %swap3A_22 = vector.shape_cast %broadcast_in_dim3A_18 : vector<16xf32> to vector<1x16xf32>
      tpu.vector_store %arg6[%swap3A, %swap3A_19], %swap3A_22 {strides = array<i32>} : memref<128x16xf32, #tpu.memory_space<vmem>>, vector<1x16xf32>,
    }
    %scan3A_4 = arith.constant 128 : i32
    %mul3A = arith.constant 640 : i32
    %mul3A_5 = arith.muli %arg1, %mul3A : i32
    "tpu.region"() ({
      %run_scoped3A = tpu.sem_alloc : memref<!tpu.dma_semaphore, #tpu.memory_space<semaphore_mem>>
      %dma_start3A = arith.constant 0 : i32
      %dma_start3A_17 = tpu.memref_slice %arg7[%mul3A_5, %dma_start3A] : memref<10240x16xf32, #tpu.memory_space<vmem_shared>> -> memref<640x16xf32, #tpu.memory_space<vmem_shared>>
      %dma_start3A_18 = arith.constant 0 : i32
      %dma_start3A_19 = tpu.memref_slice %arg3[%mul3A_5, %dma_start3A_18] : memref<10240x16xf32, #tpu.memory_space<hbm>> -> memref<640x16xf32, #tpu.memory_space<hbm>>
      tpu.enqueue_dma source(%dma_start3A_19 : memref<640x16xf32, #tpu.memory_space<hbm>>) target(%dma_start3A_17 : memref<640x16xf32, #tpu.memory_space<vmem_shared>>) target_semaphore(%run_scoped3A : memref<!tpu.dma_semaphore, #tpu.memory_space<semaphore_mem>>)
      %dma_wait3A = arith.constant 0 : i32
      %dma_wait3A_20 = tpu.memref_slice %arg7[%mul3A_5, %dma_wait3A] : memref<10240x16xf32, #tpu.memory_space<vmem_shared>> -> memref<640x16xf32, #tpu.memory_space<vmem_shared>>
      %dma_wait3A_21 = arith.constant 0 : i32
      %dma_wait3A_22 = tpu.memref_slice %arg3[%mul3A_5, %dma_wait3A_21] : memref<10240x16xf32, #tpu.memory_space<hbm>> -> memref<640x16xf32, #tpu.memory_space<hbm>>
      tpu.wait_dma2 semaphore(%run_scoped3A : memref<!tpu.dma_semaphore, #tpu.memory_space<semaphore_mem>>) src(%dma_wait3A_22 : memref<640x16xf32, #tpu.memory_space<hbm>>) dst(%dma_wait3A_20 : memref<640x16xf32, #tpu.memory_space<vmem_shared>>)
      tpu.yield
    }) : () -> ()
    %barrier3A = arith.constant 0 : index
    tpu.barrier barrier_id(%barrier3A)
    %mul3A_6 = arith.constant 1280 : i32
    %mul3A_7 = arith.muli %arg0, %mul3A_6 : i32
    %mul3A_8 = arith.constant 80 : i32
    %mul3A_9 = arith.muli %arg1, %mul3A_8 : i32
    %add3A = arith.addi %mul3A_7, %mul3A_9 : i32
    "tpu.region"() ({
      %run_scoped3A = tpu.sem_alloc : memref<!tpu.dma_semaphore, #tpu.memory_space<semaphore_mem>>
      %dma_start3A = arith.constant 0 : i32
      %dma_start3A_17 = tpu.memref_slice %arg2[%add3A, %dma_start3A] : memref<2560x128xi32, #tpu.memory_space<hbm>> -> memref<80x128xi32, #tpu.memory_space<hbm>>
      %dma_start3A_18 = arith.constant 0 : i32
      %dma_start3A_19 = tpu.memref_slice %arg2[%add3A, %dma_start3A_18] : memref<2560x128xi32, #tpu.memory_space<hbm>> -> memref<80x128xi32, #tpu.memory_space<hbm>>
      tpu.enqueue_dma source(%dma_start3A_19 : memref<80x128xi32, #tpu.memory_space<hbm>>) target(%arg5 : memref<80x128xi32, #tpu.memory_space<vmem>>) target_semaphore(%run_scoped3A : memref<!tpu.dma_semaphore, #tpu.memory_space<semaphore_mem>>)
      %dma_wait3A = arith.constant 0 : i32
      %dma_wait3A_20 = tpu.memref_slice %arg2[%add3A, %dma_wait3A] : memref<2560x128xi32, #tpu.memory_space<hbm>> -> memref<80x128xi32, #tpu.memory_space<hbm>>
      %dma_wait3A_21 = arith.constant 0 : i32
      %dma_wait3A_22 = tpu.memref_slice %arg2[%add3A, %dma_wait3A_21] : memref<2560x128xi32, #tpu.memory_space<hbm>> -> memref<80x128xi32, #tpu.memory_space<hbm>>
      tpu.wait_dma2 semaphore(%run_scoped3A : memref<!tpu.dma_semaphore, #tpu.memory_space<semaphore_mem>>) src(%dma_wait3A_22 : memref<80x128xi32, #tpu.memory_space<hbm>>) dst(%arg5 : memref<80x128xi32, #tpu.memory_space<vmem>>)
      tpu.yield
    }) : () -> ()
    %scan3A_10 = arith.constant 0 : i32
    %scan3A_11 = arith.constant 0 : i32
    %scan3A_12 = arith.constant 80 : i32
    %scan3A_13 = arith.addi %scan3A_11, %scan3A_12 : i32
    %scan3A_14 = arith.constant 1 : i32
    scf.for %scan3A_17 = %scan3A_11 to %scan3A_13 step %scan3A_14  : i32 {
      "tpu.region"() ({
        %run_scoped3A = tpu.sem_alloc : memref<!tpu.dma_semaphore, #tpu.memory_space<semaphore_mem>>
        %dma_start3A = arith.constant 0 : i32
        %dma_start3A_18 = tpu.memref_slice %arg5[%scan3A_17, %dma_start3A] : memref<80x128xi32, #tpu.memory_space<vmem>> -> memref<1x128xi32, #tpu.memory_space<vmem>>
        %dma_start3A_19 = tpu.memref_squeeze %dma_start3A_18 : memref<1x128xi32, #tpu.memory_space<vmem>> -> memref<128xi32, #tpu.memory_space<vmem>>
        %dma_start3A_20 = arith.constant 0 : i32
        %dma_start3A_21 = arith.constant 0 : i32
        %dma_start3A_22 = tpu.memref_slice %arg7[%dma_start3A_20, %dma_start3A_21] : memref<10240x16xf32, #tpu.memory_space<vmem_shared>> -> memref<10240x16xf32, #tpu.memory_space<vmem_shared>>
        tpu.enqueue_indirect_dma source(%arg6 : memref<128x16xf32, #tpu.memory_space<vmem>>) target(%dma_start3A_22 : memref<10240x16xf32, #tpu.memory_space<vmem_shared>>) offsets(%dma_start3A_19 : memref<128xi32, #tpu.memory_space<vmem>>) semaphore(%run_scoped3A : memref<!tpu.dma_semaphore, #tpu.memory_space<semaphore_mem>>) {add = true}
        %dma_wait3A = arith.constant 0 : i32
        %dma_wait3A_23 = tpu.memref_slice %arg5[%scan3A_17, %dma_wait3A] : memref<80x128xi32, #tpu.memory_space<vmem>> -> memref<1x128xi32, #tpu.memory_space<vmem>>
        %dma_wait3A_24 = tpu.memref_squeeze %dma_wait3A_23 : memref<1x128xi32, #tpu.memory_space<vmem>> -> memref<128xi32, #tpu.memory_space<vmem>>
        %dma_wait3A_25 = arith.constant 0 : i32
        %dma_wait3A_26 = arith.constant 0 : i32
        %dma_wait3A_27 = tpu.memref_slice %arg7[%dma_wait3A_25, %dma_wait3A_26] : memref<10240x16xf32, #tpu.memory_space<vmem_shared>> -> memref<10240x16xf32, #tpu.memory_space<vmem_shared>>
        tpu.wait_indirect_dma semaphore(%run_scoped3A : memref<!tpu.dma_semaphore, #tpu.memory_space<semaphore_mem>>) src(%arg6 : memref<128x16xf32, #tpu.memory_space<vmem>>) dst(%dma_wait3A_27 : memref<10240x16xf32, #tpu.memory_space<vmem_shared>>)
        tpu.yield
      }) : () -> ()
    }
    %scan3A_15 = arith.constant 80 : i32
    %barrier3A_16 = arith.constant 0 : index
    tpu.barrier barrier_id(%barrier3A_16)
    "tpu.region"() ({
      %run_scoped3A = tpu.sem_alloc : memref<!tpu.dma_semaphore, #tpu.memory_space<semaphore_mem>>
      %dma_start3A = arith.constant 0 : i32
      %dma_start3A_17 = tpu.memref_slice %arg4[%arg0, %mul3A_5, %dma_start3A] : memref<2x10240x16xf32, #tpu.memory_space<hbm>> -> memref<1x640x16xf32, #tpu.memory_space<hbm>>
      %dma_start3A_18 = tpu.memref_squeeze %dma_start3A_17 : memref<1x640x16xf32, #tpu.memory_space<hbm>> -> memref<640x16xf32, #tpu.memory_space<hbm>>
      %dma_start3A_19 = arith.constant 0 : i32
      %dma_start3A_20 = tpu.memref_slice %arg7[%mul3A_5, %dma_start3A_19] : memref<10240x16xf32, #tpu.memory_space<vmem_shared>> -> memref<640x16xf32, #tpu.memory_space<vmem_shared>>
      tpu.enqueue_dma source(%dma_start3A_20 : memref<640x16xf32, #tpu.memory_space<vmem_shared>>) target(%dma_start3A_18 : memref<640x16xf32, #tpu.memory_space<hbm>>) target_semaphore(%run_scoped3A : memref<!tpu.dma_semaphore, #tpu.memory_space<semaphore_mem>>)
      %dma_wait3A = arith.constant 0 : i32
      %dma_wait3A_21 = tpu.memref_slice %arg4[%arg0, %mul3A_5, %dma_wait3A] : memref<2x10240x16xf32, #tpu.memory_space<hbm>> -> memref<1x640x16xf32, #tpu.memory_space<hbm>>
      %dma_wait3A_22 = tpu.memref_squeeze %dma_wait3A_21 : memref<1x640x16xf32, #tpu.memory_space<hbm>> -> memref<640x16xf32, #tpu.memory_space<hbm>>
      %dma_wait3A_23 = arith.constant 0 : i32
      %dma_wait3A_24 = tpu.memref_slice %arg7[%mul3A_5, %dma_wait3A_23] : memref<10240x16xf32, #tpu.memory_space<vmem_shared>> -> memref<640x16xf32, #tpu.memory_space<vmem_shared>>
      tpu.wait_dma2 semaphore(%run_scoped3A : memref<!tpu.dma_semaphore, #tpu.memory_space<semaphore_mem>>) src(%dma_wait3A_24 : memref<640x16xf32, #tpu.memory_space<vmem_shared>>) dst(%dma_wait3A_22 : memref<640x16xf32, #tpu.memory_space<hbm>>)
      tpu.yield
    }) : () -> ()
    return
  }
}

#map = affine_map<(d0, d1) -> (0, 0)>
#map1 = affine_map<(d0, d1) -> (0, 0, 0)>
module attributes {stable_mosaic.version = 14 : i64} {
  func.func @_mp_kernel(%arg0: i32, %arg1: i32, %arg2: memref<10240x128xf32, #tpu.memory_space<hbm>>, %arg3: memref<10240x32xi32, #tpu.memory_space<hbm>>, %arg4: memref<10240x32xi32, #tpu.memory_space<hbm>>, %arg5: memref<10240x128xf32, #tpu.memory_space<hbm>>, %arg6: memref<2x5248x128xf32, #tpu.memory_space<hbm>>, %arg7: memref<8x32xi32, #tpu.memory_space<vmem>>, %arg8: memref<8x32xi32, #tpu.memory_space<vmem>>, %arg9: memref<8x32xi32, #tpu.memory_space<vmem>>, %arg10: memref<32x128xf32, #tpu.memory_space<vmem>>, %arg11: memref<!tpu.dma_semaphore, #tpu.memory_space<semaphore_mem>>, %arg12: memref<10000x128xf32, #tpu.memory_space<vmem_shared>>, %arg13: memref<5248x128xf32, #tpu.memory_space<vmem_shared>>) attributes {dimension_semantics = [#tpu.dimension_semantics<core_parallel>, #tpu.dimension_semantics<subcore_parallel>], iteration_bounds = array<i64: 2, 16>, scalar_prefetch = 0 : i64, scratch_operands = 7 : i64, tpu.core_type = #tpu.core_type<sc_vector_subcore>, window_params = [{transform_indices = #map}, {transform_indices = #map}, {transform_indices = #map}, {transform_indices = #map}, {transform_indices = #map1}]} {
    %mul3A = arith.constant 328 : i32
    %mul3A_0 = arith.muli %arg1, %mul3A : i32
    "tpu.region"() ({
      %run_scoped3A = tpu.sem_alloc : memref<!tpu.dma_semaphore, #tpu.memory_space<semaphore_mem>>
      %dma_start3A = arith.constant 0 : i32
      %dma_start3A_17 = tpu.memref_slice %arg13[%mul3A_0, %dma_start3A] : memref<5248x128xf32, #tpu.memory_space<vmem_shared>> -> memref<328x128xf32, #tpu.memory_space<vmem_shared>>
      %dma_start3A_18 = arith.constant 0 : i32
      %dma_start3A_19 = arith.constant 0 : i32
      %dma_start3A_20 = tpu.memref_slice %arg5[%dma_start3A_18, %dma_start3A_19] : memref<10240x128xf32, #tpu.memory_space<hbm>> -> memref<328x128xf32, #tpu.memory_space<hbm>>
      tpu.enqueue_dma source(%dma_start3A_20 : memref<328x128xf32, #tpu.memory_space<hbm>>) target(%dma_start3A_17 : memref<328x128xf32, #tpu.memory_space<vmem_shared>>) target_semaphore(%run_scoped3A : memref<!tpu.dma_semaphore, #tpu.memory_space<semaphore_mem>>)
      %dma_wait3A = arith.constant 0 : i32
      %dma_wait3A_21 = tpu.memref_slice %arg13[%mul3A_0, %dma_wait3A] : memref<5248x128xf32, #tpu.memory_space<vmem_shared>> -> memref<328x128xf32, #tpu.memory_space<vmem_shared>>
      %dma_wait3A_22 = arith.constant 0 : i32
      %dma_wait3A_23 = arith.constant 0 : i32
      %dma_wait3A_24 = tpu.memref_slice %arg5[%dma_wait3A_22, %dma_wait3A_23] : memref<10240x128xf32, #tpu.memory_space<hbm>> -> memref<328x128xf32, #tpu.memory_space<hbm>>
      tpu.wait_dma2 semaphore(%run_scoped3A : memref<!tpu.dma_semaphore, #tpu.memory_space<semaphore_mem>>) src(%dma_wait3A_24 : memref<328x128xf32, #tpu.memory_space<hbm>>) dst(%dma_wait3A_21 : memref<328x128xf32, #tpu.memory_space<vmem_shared>>)
      tpu.yield
    }) : () -> ()
    %lt3A = arith.constant 15 : i32
    %lt3A_1 = arith.cmpi slt, %arg1, %lt3A : i32
    %convert_element_type3A = arith.extui %lt3A_1 : i1 to i32
    %cond3A = arith.constant 0 : i32
    %cond3A_2 = arith.cmpi ne, %convert_element_type3A, %cond3A : i32
    scf.if %cond3A_2 {
      %mul3A_17 = arith.constant 632 : i32
      %mul3A_18 = arith.muli %arg1, %mul3A_17 : i32
      %mul3A_19 = arith.constant 632 : i32
      %mul3A_20 = arith.muli %arg1, %mul3A_19 : i32
      "tpu.region"() ({
        %run_scoped3A = tpu.sem_alloc : memref<!tpu.dma_semaphore, #tpu.memory_space<semaphore_mem>>
        %dma_start3A = arith.constant 0 : i32
        %dma_start3A_21 = tpu.memref_slice %arg12[%mul3A_20, %dma_start3A] : memref<10000x128xf32, #tpu.memory_space<vmem_shared>> -> memref<632x128xf32, #tpu.memory_space<vmem_shared>>
        %dma_start3A_22 = arith.constant 0 : i32
        %dma_start3A_23 = tpu.memref_slice %arg2[%mul3A_18, %dma_start3A_22] : memref<10240x128xf32, #tpu.memory_space<hbm>> -> memref<632x128xf32, #tpu.memory_space<hbm>>
        tpu.enqueue_dma source(%dma_start3A_23 : memref<632x128xf32, #tpu.memory_space<hbm>>) target(%dma_start3A_21 : memref<632x128xf32, #tpu.memory_space<vmem_shared>>) target_semaphore(%run_scoped3A : memref<!tpu.dma_semaphore, #tpu.memory_space<semaphore_mem>>)
        %dma_wait3A = arith.constant 0 : i32
        %dma_wait3A_24 = tpu.memref_slice %arg12[%mul3A_20, %dma_wait3A] : memref<10000x128xf32, #tpu.memory_space<vmem_shared>> -> memref<632x128xf32, #tpu.memory_space<vmem_shared>>
        %dma_wait3A_25 = arith.constant 0 : i32
        %dma_wait3A_26 = tpu.memref_slice %arg2[%mul3A_18, %dma_wait3A_25] : memref<10240x128xf32, #tpu.memory_space<hbm>> -> memref<632x128xf32, #tpu.memory_space<hbm>>
        tpu.wait_dma2 semaphore(%run_scoped3A : memref<!tpu.dma_semaphore, #tpu.memory_space<semaphore_mem>>) src(%dma_wait3A_26 : memref<632x128xf32, #tpu.memory_space<hbm>>) dst(%dma_wait3A_24 : memref<632x128xf32, #tpu.memory_space<vmem_shared>>)
        tpu.yield
      }) : () -> ()
    } else {
    }
    %eq3A = arith.constant 15 : i32
    %eq3A_3 = arith.cmpi eq, %arg1, %eq3A : i32
    %convert_element_type3A_4 = arith.extui %eq3A_3 : i1 to i32
    %cond3A_5 = arith.constant 0 : i32
    %cond3A_6 = arith.cmpi ne, %convert_element_type3A_4, %cond3A_5 : i32
    scf.if %cond3A_6 {
      "tpu.region"() ({
        %run_scoped3A = tpu.sem_alloc : memref<!tpu.dma_semaphore, #tpu.memory_space<semaphore_mem>>
        %dma_start3A = arith.constant 9480 : i32
        %dma_start3A_17 = arith.constant 0 : i32
        %dma_start3A_18 = tpu.memref_slice %arg12[%dma_start3A, %dma_start3A_17] : memref<10000x128xf32, #tpu.memory_space<vmem_shared>> -> memref<520x128xf32, #tpu.memory_space<vmem_shared>>
        %dma_start3A_19 = arith.constant 9480 : i32
        %dma_start3A_20 = arith.constant 0 : i32
        %dma_start3A_21 = tpu.memref_slice %arg2[%dma_start3A_19, %dma_start3A_20] : memref<10240x128xf32, #tpu.memory_space<hbm>> -> memref<520x128xf32, #tpu.memory_space<hbm>>
        tpu.enqueue_dma source(%dma_start3A_21 : memref<520x128xf32, #tpu.memory_space<hbm>>) target(%dma_start3A_18 : memref<520x128xf32, #tpu.memory_space<vmem_shared>>) target_semaphore(%run_scoped3A : memref<!tpu.dma_semaphore, #tpu.memory_space<semaphore_mem>>)
        %dma_wait3A = arith.constant 9480 : i32
        %dma_wait3A_22 = arith.constant 0 : i32
        %dma_wait3A_23 = tpu.memref_slice %arg12[%dma_wait3A, %dma_wait3A_22] : memref<10000x128xf32, #tpu.memory_space<vmem_shared>> -> memref<520x128xf32, #tpu.memory_space<vmem_shared>>
        %dma_wait3A_24 = arith.constant 9480 : i32
        %dma_wait3A_25 = arith.constant 0 : i32
        %dma_wait3A_26 = tpu.memref_slice %arg2[%dma_wait3A_24, %dma_wait3A_25] : memref<10240x128xf32, #tpu.memory_space<hbm>> -> memref<520x128xf32, #tpu.memory_space<hbm>>
        tpu.wait_dma2 semaphore(%run_scoped3A : memref<!tpu.dma_semaphore, #tpu.memory_space<semaphore_mem>>) src(%dma_wait3A_26 : memref<520x128xf32, #tpu.memory_space<hbm>>) dst(%dma_wait3A_23 : memref<520x128xf32, #tpu.memory_space<vmem_shared>>)
        tpu.yield
      }) : () -> ()
    } else {
    }
    %barrier3A = arith.constant 0 : index
    tpu.barrier barrier_id(%barrier3A)
    %mul3A_7 = arith.constant 640 : i32
    %mul3A_8 = arith.muli %arg1, %mul3A_7 : i32
    %mul3A_9 = arith.constant 5120 : i32
    %mul3A_10 = arith.muli %arg0, %mul3A_9 : i32
    %scan3A = arith.constant 0 : i32
    %scan3A_11 = arith.constant 0 : i32
    %scan3A_12 = arith.constant 80 : i32
    %scan3A_13 = arith.addi %scan3A_11, %scan3A_12 : i32
    %scan3A_14 = arith.constant 1 : i32
    scf.for %scan3A_17 = %scan3A_11 to %scan3A_13 step %scan3A_14  : i32 {
      %mul3A_18 = arith.constant 8 : i32
      %mul3A_19 = arith.muli %scan3A_17, %mul3A_18 : i32
      %add3A = arith.addi %mul3A_8, %mul3A_19 : i32
      "tpu.region"() ({
        %run_scoped3A = tpu.sem_alloc : memref<!tpu.dma_semaphore, #tpu.memory_space<semaphore_mem>>
        %dma_start3A = arith.constant 0 : i32
        %dma_start3A_386 = tpu.memref_slice %arg3[%add3A, %dma_start3A] : memref<10240x32xi32, #tpu.memory_space<hbm>> -> memref<8x32xi32, #tpu.memory_space<hbm>>
        %dma_start3A_387 = arith.constant 0 : i32
        %dma_start3A_388 = tpu.memref_slice %arg3[%add3A, %dma_start3A_387] : memref<10240x32xi32, #tpu.memory_space<hbm>> -> memref<8x32xi32, #tpu.memory_space<hbm>>
        tpu.enqueue_dma source(%dma_start3A_388 : memref<8x32xi32, #tpu.memory_space<hbm>>) target(%arg7 : memref<8x32xi32, #tpu.memory_space<vmem>>) target_semaphore(%run_scoped3A : memref<!tpu.dma_semaphore, #tpu.memory_space<semaphore_mem>>)
        %dma_wait3A = arith.constant 0 : i32
        %dma_wait3A_389 = tpu.memref_slice %arg3[%add3A, %dma_wait3A] : memref<10240x32xi32, #tpu.memory_space<hbm>> -> memref<8x32xi32, #tpu.memory_space<hbm>>
        %dma_wait3A_390 = arith.constant 0 : i32
        %dma_wait3A_391 = tpu.memref_slice %arg3[%add3A, %dma_wait3A_390] : memref<10240x32xi32, #tpu.memory_space<hbm>> -> memref<8x32xi32, #tpu.memory_space<hbm>>
        tpu.wait_dma2 semaphore(%run_scoped3A : memref<!tpu.dma_semaphore, #tpu.memory_space<semaphore_mem>>) src(%dma_wait3A_391 : memref<8x32xi32, #tpu.memory_space<hbm>>) dst(%arg7 : memref<8x32xi32, #tpu.memory_space<vmem>>)
        tpu.yield
      }) : () -> ()
      "tpu.region"() ({
        %run_scoped3A = tpu.sem_alloc : memref<!tpu.dma_semaphore, #tpu.memory_space<semaphore_mem>>
        %dma_start3A = arith.constant 0 : i32
        %dma_start3A_386 = tpu.memref_slice %arg4[%add3A, %dma_start3A] : memref<10240x32xi32, #tpu.memory_space<hbm>> -> memref<8x32xi32, #tpu.memory_space<hbm>>
        %dma_start3A_387 = arith.constant 0 : i32
        %dma_start3A_388 = tpu.memref_slice %arg4[%add3A, %dma_start3A_387] : memref<10240x32xi32, #tpu.memory_space<hbm>> -> memref<8x32xi32, #tpu.memory_space<hbm>>
        tpu.enqueue_dma source(%dma_start3A_388 : memref<8x32xi32, #tpu.memory_space<hbm>>) target(%arg8 : memref<8x32xi32, #tpu.memory_space<vmem>>) target_semaphore(%run_scoped3A : memref<!tpu.dma_semaphore, #tpu.memory_space<semaphore_mem>>)
        %dma_wait3A = arith.constant 0 : i32
        %dma_wait3A_389 = tpu.memref_slice %arg4[%add3A, %dma_wait3A] : memref<10240x32xi32, #tpu.memory_space<hbm>> -> memref<8x32xi32, #tpu.memory_space<hbm>>
        %dma_wait3A_390 = arith.constant 0 : i32
        %dma_wait3A_391 = tpu.memref_slice %arg4[%add3A, %dma_wait3A_390] : memref<10240x32xi32, #tpu.memory_space<hbm>> -> memref<8x32xi32, #tpu.memory_space<hbm>>
        tpu.wait_dma2 semaphore(%run_scoped3A : memref<!tpu.dma_semaphore, #tpu.memory_space<semaphore_mem>>) src(%dma_wait3A_391 : memref<8x32xi32, #tpu.memory_space<hbm>>) dst(%arg8 : memref<8x32xi32, #tpu.memory_space<vmem>>)
        tpu.yield
      }) : () -> ()
      %get3A = arith.constant 0 : i32
      %get3A_20 = arith.index_cast %get3A : i32 to index
      %get3A_21 = arith.constant 0 : index
      %get3A_22 = tpu.vector_load %arg8[%get3A_20, %get3A_21] {strides = array<i32>} : memref<8x32xi32, #tpu.memory_space<vmem>>, vector<1x16xi32>,
      %get3A_23 = vector.shape_cast %get3A_22 : vector<1x16xi32> to vector<16xi32>
      %ge3A = vector.broadcast %mul3A_10 : i32 to vector<16xi32>
      %ge3A_24 = arith.cmpi sge, %get3A_23, %ge3A : vector<16xi32>
      %add3A_25 = arith.constant 5120 : i32
      %add3A_26 = arith.addi %mul3A_10, %add3A_25 : i32
      %lt3A_27 = vector.broadcast %add3A_26 : i32 to vector<16xi32>
      %lt3A_28 = arith.cmpi slt, %get3A_23, %lt3A_27 : vector<16xi32>
      %and3A = arith.andi %ge3A_24, %lt3A_28 : vector<16xi1>
      %sub3A = vector.broadcast %mul3A_10 : i32 to vector<16xi32>
      %sub3A_29 = arith.subi %get3A_23, %sub3A : vector<16xi32>
      %jit3A = arith.constant 5127 : i32
      %broadcast_in_dim3A = vector.broadcast %jit3A : i32 to vector<16xi32>
      %select_n3A = arith.select %and3A, %sub3A_29, %broadcast_in_dim3A : vector<16xi1>, vector<16xi32>
      %swap3A = arith.constant 0 : i32
      %swap3A_30 = arith.index_cast %swap3A : i32 to index
      %swap3A_31 = arith.constant 0 : index
      %swap3A_32 = tpu.vector_load %arg9[%swap3A_30, %swap3A_31] {strides = array<i32>} : memref<8x32xi32, #tpu.memory_space<vmem>>, vector<1x16xi32>,
      %swap3A_33 = vector.shape_cast %swap3A_32 : vector<1x16xi32> to vector<16xi32>
      %swap3A_34 = vector.shape_cast %select_n3A : vector<16xi32> to vector<1x16xi32>
      tpu.vector_store %arg9[%swap3A_30, %swap3A_31], %swap3A_34 {strides = array<i32>} : memref<8x32xi32, #tpu.memory_space<vmem>>, vector<1x16xi32>,
      %get3A_35 = arith.constant 0 : i32
      %get3A_36 = arith.index_cast %get3A_35 : i32 to index
      %get3A_37 = arith.constant 16 : index
      %get3A_38 = tpu.vector_load %arg8[%get3A_36, %get3A_37] {strides = array<i32>} : memref<8x32xi32, #tpu.memory_space<vmem>>, vector<1x16xi32>,
      %get3A_39 = vector.shape_cast %get3A_38 : vector<1x16xi32> to vector<16xi32>
      %ge3A_40 = vector.broadcast %mul3A_10 : i32 to vector<16xi32>
      %ge3A_41 = arith.cmpi sge, %get3A_39, %ge3A_40 : vector<16xi32>
      %add3A_42 = arith.constant 5120 : i32
      %add3A_43 = arith.addi %mul3A_10, %add3A_42 : i32
      %lt3A_44 = vector.broadcast %add3A_43 : i32 to vector<16xi32>
      %lt3A_45 = arith.cmpi slt, %get3A_39, %lt3A_44 : vector<16xi32>
      %and3A_46 = arith.andi %ge3A_41, %lt3A_45 : vector<16xi1>
      %sub3A_47 = vector.broadcast %mul3A_10 : i32 to vector<16xi32>
      %sub3A_48 = arith.subi %get3A_39, %sub3A_47 : vector<16xi32>
      %jit3A_49 = arith.constant 5127 : i32
      %broadcast_in_dim3A_50 = vector.broadcast %jit3A_49 : i32 to vector<16xi32>
      %select_n3A_51 = arith.select %and3A_46, %sub3A_48, %broadcast_in_dim3A_50 : vector<16xi1>, vector<16xi32>
      %swap3A_52 = arith.constant 0 : i32
      %swap3A_53 = arith.index_cast %swap3A_52 : i32 to index
      %swap3A_54 = arith.constant 16 : index
      %swap3A_55 = tpu.vector_load %arg9[%swap3A_53, %swap3A_54] {strides = array<i32>} : memref<8x32xi32, #tpu.memory_space<vmem>>, vector<1x16xi32>,
      %swap3A_56 = vector.shape_cast %swap3A_55 : vector<1x16xi32> to vector<16xi32>
      %swap3A_57 = vector.shape_cast %select_n3A_51 : vector<16xi32> to vector<1x16xi32>
      tpu.vector_store %arg9[%swap3A_53, %swap3A_54], %swap3A_57 {strides = array<i32>} : memref<8x32xi32, #tpu.memory_space<vmem>>, vector<1x16xi32>,
      %get3A_58 = arith.constant 1 : i32
      %get3A_59 = arith.index_cast %get3A_58 : i32 to index
      %get3A_60 = arith.constant 0 : index
      %get3A_61 = tpu.vector_load %arg8[%get3A_59, %get3A_60] {strides = array<i32>} : memref<8x32xi32, #tpu.memory_space<vmem>>, vector<1x16xi32>,
      %get3A_62 = vector.shape_cast %get3A_61 : vector<1x16xi32> to vector<16xi32>
      %ge3A_63 = vector.broadcast %mul3A_10 : i32 to vector<16xi32>
      %ge3A_64 = arith.cmpi sge, %get3A_62, %ge3A_63 : vector<16xi32>
      %add3A_65 = arith.constant 5120 : i32
      %add3A_66 = arith.addi %mul3A_10, %add3A_65 : i32
      %lt3A_67 = vector.broadcast %add3A_66 : i32 to vector<16xi32>
      %lt3A_68 = arith.cmpi slt, %get3A_62, %lt3A_67 : vector<16xi32>
      %and3A_69 = arith.andi %ge3A_64, %lt3A_68 : vector<16xi1>
      %sub3A_70 = vector.broadcast %mul3A_10 : i32 to vector<16xi32>
      %sub3A_71 = arith.subi %get3A_62, %sub3A_70 : vector<16xi32>
      %jit3A_72 = arith.constant 5127 : i32
      %broadcast_in_dim3A_73 = vector.broadcast %jit3A_72 : i32 to vector<16xi32>
      %select_n3A_74 = arith.select %and3A_69, %sub3A_71, %broadcast_in_dim3A_73 : vector<16xi1>, vector<16xi32>
      %swap3A_75 = arith.constant 1 : i32
      %swap3A_76 = arith.index_cast %swap3A_75 : i32 to index
      %swap3A_77 = arith.constant 0 : index
      %swap3A_78 = tpu.vector_load %arg9[%swap3A_76, %swap3A_77] {strides = array<i32>} : memref<8x32xi32, #tpu.memory_space<vmem>>, vector<1x16xi32>,
      %swap3A_79 = vector.shape_cast %swap3A_78 : vector<1x16xi32> to vector<16xi32>
      %swap3A_80 = vector.shape_cast %select_n3A_74 : vector<16xi32> to vector<1x16xi32>
      tpu.vector_store %arg9[%swap3A_76, %swap3A_77], %swap3A_80 {strides = array<i32>} : memref<8x32xi32, #tpu.memory_space<vmem>>, vector<1x16xi32>,
      %get3A_81 = arith.constant 1 : i32
      %get3A_82 = arith.index_cast %get3A_81 : i32 to index
      %get3A_83 = arith.constant 16 : index
      %get3A_84 = tpu.vector_load %arg8[%get3A_82, %get3A_83] {strides = array<i32>} : memref<8x32xi32, #tpu.memory_space<vmem>>, vector<1x16xi32>,
      %get3A_85 = vector.shape_cast %get3A_84 : vector<1x16xi32> to vector<16xi32>
      %ge3A_86 = vector.broadcast %mul3A_10 : i32 to vector<16xi32>
      %ge3A_87 = arith.cmpi sge, %get3A_85, %ge3A_86 : vector<16xi32>
      %add3A_88 = arith.constant 5120 : i32
      %add3A_89 = arith.addi %mul3A_10, %add3A_88 : i32
      %lt3A_90 = vector.broadcast %add3A_89 : i32 to vector<16xi32>
      %lt3A_91 = arith.cmpi slt, %get3A_85, %lt3A_90 : vector<16xi32>
      %and3A_92 = arith.andi %ge3A_87, %lt3A_91 : vector<16xi1>
      %sub3A_93 = vector.broadcast %mul3A_10 : i32 to vector<16xi32>
      %sub3A_94 = arith.subi %get3A_85, %sub3A_93 : vector<16xi32>
      %jit3A_95 = arith.constant 5127 : i32
      %broadcast_in_dim3A_96 = vector.broadcast %jit3A_95 : i32 to vector<16xi32>
      %select_n3A_97 = arith.select %and3A_92, %sub3A_94, %broadcast_in_dim3A_96 : vector<16xi1>, vector<16xi32>
      %swap3A_98 = arith.constant 1 : i32
      %swap3A_99 = arith.index_cast %swap3A_98 : i32 to index
      %swap3A_100 = arith.constant 16 : index
      %swap3A_101 = tpu.vector_load %arg9[%swap3A_99, %swap3A_100] {strides = array<i32>} : memref<8x32xi32, #tpu.memory_space<vmem>>, vector<1x16xi32>,
      %swap3A_102 = vector.shape_cast %swap3A_101 : vector<1x16xi32> to vector<16xi32>
      %swap3A_103 = vector.shape_cast %select_n3A_97 : vector<16xi32> to vector<1x16xi32>
      tpu.vector_store %arg9[%swap3A_99, %swap3A_100], %swap3A_103 {strides = array<i32>} : memref<8x32xi32, #tpu.memory_space<vmem>>, vector<1x16xi32>,
      %get3A_104 = arith.constant 2 : i32
      %get3A_105 = arith.index_cast %get3A_104 : i32 to index
      %get3A_106 = arith.constant 0 : index
      %get3A_107 = tpu.vector_load %arg8[%get3A_105, %get3A_106] {strides = array<i32>} : memref<8x32xi32, #tpu.memory_space<vmem>>, vector<1x16xi32>,
      %get3A_108 = vector.shape_cast %get3A_107 : vector<1x16xi32> to vector<16xi32>
      %ge3A_109 = vector.broadcast %mul3A_10 : i32 to vector<16xi32>
      %ge3A_110 = arith.cmpi sge, %get3A_108, %ge3A_109 : vector<16xi32>
      %add3A_111 = arith.constant 5120 : i32
      %add3A_112 = arith.addi %mul3A_10, %add3A_111 : i32
      %lt3A_113 = vector.broadcast %add3A_112 : i32 to vector<16xi32>
      %lt3A_114 = arith.cmpi slt, %get3A_108, %lt3A_113 : vector<16xi32>
      %and3A_115 = arith.andi %ge3A_110, %lt3A_114 : vector<16xi1>
      %sub3A_116 = vector.broadcast %mul3A_10 : i32 to vector<16xi32>
      %sub3A_117 = arith.subi %get3A_108, %sub3A_116 : vector<16xi32>
      %jit3A_118 = arith.constant 5127 : i32
      %broadcast_in_dim3A_119 = vector.broadcast %jit3A_118 : i32 to vector<16xi32>
      %select_n3A_120 = arith.select %and3A_115, %sub3A_117, %broadcast_in_dim3A_119 : vector<16xi1>, vector<16xi32>
      %swap3A_121 = arith.constant 2 : i32
      %swap3A_122 = arith.index_cast %swap3A_121 : i32 to index
      %swap3A_123 = arith.constant 0 : index
      %swap3A_124 = tpu.vector_load %arg9[%swap3A_122, %swap3A_123] {strides = array<i32>} : memref<8x32xi32, #tpu.memory_space<vmem>>, vector<1x16xi32>,
      %swap3A_125 = vector.shape_cast %swap3A_124 : vector<1x16xi32> to vector<16xi32>
      %swap3A_126 = vector.shape_cast %select_n3A_120 : vector<16xi32> to vector<1x16xi32>
      tpu.vector_store %arg9[%swap3A_122, %swap3A_123], %swap3A_126 {strides = array<i32>} : memref<8x32xi32, #tpu.memory_space<vmem>>, vector<1x16xi32>,
      %get3A_127 = arith.constant 2 : i32
      %get3A_128 = arith.index_cast %get3A_127 : i32 to index
      %get3A_129 = arith.constant 16 : index
      %get3A_130 = tpu.vector_load %arg8[%get3A_128, %get3A_129] {strides = array<i32>} : memref<8x32xi32, #tpu.memory_space<vmem>>, vector<1x16xi32>,
      %get3A_131 = vector.shape_cast %get3A_130 : vector<1x16xi32> to vector<16xi32>
      %ge3A_132 = vector.broadcast %mul3A_10 : i32 to vector<16xi32>
      %ge3A_133 = arith.cmpi sge, %get3A_131, %ge3A_132 : vector<16xi32>
      %add3A_134 = arith.constant 5120 : i32
      %add3A_135 = arith.addi %mul3A_10, %add3A_134 : i32
      %lt3A_136 = vector.broadcast %add3A_135 : i32 to vector<16xi32>
      %lt3A_137 = arith.cmpi slt, %get3A_131, %lt3A_136 : vector<16xi32>
      %and3A_138 = arith.andi %ge3A_133, %lt3A_137 : vector<16xi1>
      %sub3A_139 = vector.broadcast %mul3A_10 : i32 to vector<16xi32>
      %sub3A_140 = arith.subi %get3A_131, %sub3A_139 : vector<16xi32>
      %jit3A_141 = arith.constant 5127 : i32
      %broadcast_in_dim3A_142 = vector.broadcast %jit3A_141 : i32 to vector<16xi32>
      %select_n3A_143 = arith.select %and3A_138, %sub3A_140, %broadcast_in_dim3A_142 : vector<16xi1>, vector<16xi32>
      %swap3A_144 = arith.constant 2 : i32
      %swap3A_145 = arith.index_cast %swap3A_144 : i32 to index
      %swap3A_146 = arith.constant 16 : index
      %swap3A_147 = tpu.vector_load %arg9[%swap3A_145, %swap3A_146] {strides = array<i32>} : memref<8x32xi32, #tpu.memory_space<vmem>>, vector<1x16xi32>,
      %swap3A_148 = vector.shape_cast %swap3A_147 : vector<1x16xi32> to vector<16xi32>
      %swap3A_149 = vector.shape_cast %select_n3A_143 : vector<16xi32> to vector<1x16xi32>
      tpu.vector_store %arg9[%swap3A_145, %swap3A_146], %swap3A_149 {strides = array<i32>} : memref<8x32xi32, #tpu.memory_space<vmem>>, vector<1x16xi32>,
      %get3A_150 = arith.constant 3 : i32
      %get3A_151 = arith.index_cast %get3A_150 : i32 to index
      %get3A_152 = arith.constant 0 : index
      %get3A_153 = tpu.vector_load %arg8[%get3A_151, %get3A_152] {strides = array<i32>} : memref<8x32xi32, #tpu.memory_space<vmem>>, vector<1x16xi32>,
      %get3A_154 = vector.shape_cast %get3A_153 : vector<1x16xi32> to vector<16xi32>
      %ge3A_155 = vector.broadcast %mul3A_10 : i32 to vector<16xi32>
      %ge3A_156 = arith.cmpi sge, %get3A_154, %ge3A_155 : vector<16xi32>
      %add3A_157 = arith.constant 5120 : i32
      %add3A_158 = arith.addi %mul3A_10, %add3A_157 : i32
      %lt3A_159 = vector.broadcast %add3A_158 : i32 to vector<16xi32>
      %lt3A_160 = arith.cmpi slt, %get3A_154, %lt3A_159 : vector<16xi32>
      %and3A_161 = arith.andi %ge3A_156, %lt3A_160 : vector<16xi1>
      %sub3A_162 = vector.broadcast %mul3A_10 : i32 to vector<16xi32>
      %sub3A_163 = arith.subi %get3A_154, %sub3A_162 : vector<16xi32>
      %jit3A_164 = arith.constant 5127 : i32
      %broadcast_in_dim3A_165 = vector.broadcast %jit3A_164 : i32 to vector<16xi32>
      %select_n3A_166 = arith.select %and3A_161, %sub3A_163, %broadcast_in_dim3A_165 : vector<16xi1>, vector<16xi32>
      %swap3A_167 = arith.constant 3 : i32
      %swap3A_168 = arith.index_cast %swap3A_167 : i32 to index
      %swap3A_169 = arith.constant 0 : index
      %swap3A_170 = tpu.vector_load %arg9[%swap3A_168, %swap3A_169] {strides = array<i32>} : memref<8x32xi32, #tpu.memory_space<vmem>>, vector<1x16xi32>,
      %swap3A_171 = vector.shape_cast %swap3A_170 : vector<1x16xi32> to vector<16xi32>
      %swap3A_172 = vector.shape_cast %select_n3A_166 : vector<16xi32> to vector<1x16xi32>
      tpu.vector_store %arg9[%swap3A_168, %swap3A_169], %swap3A_172 {strides = array<i32>} : memref<8x32xi32, #tpu.memory_space<vmem>>, vector<1x16xi32>,
      %get3A_173 = arith.constant 3 : i32
      %get3A_174 = arith.index_cast %get3A_173 : i32 to index
      %get3A_175 = arith.constant 16 : index
      %get3A_176 = tpu.vector_load %arg8[%get3A_174, %get3A_175] {strides = array<i32>} : memref<8x32xi32, #tpu.memory_space<vmem>>, vector<1x16xi32>,
      %get3A_177 = vector.shape_cast %get3A_176 : vector<1x16xi32> to vector<16xi32>
      %ge3A_178 = vector.broadcast %mul3A_10 : i32 to vector<16xi32>
      %ge3A_179 = arith.cmpi sge, %get3A_177, %ge3A_178 : vector<16xi32>
      %add3A_180 = arith.constant 5120 : i32
      %add3A_181 = arith.addi %mul3A_10, %add3A_180 : i32
      %lt3A_182 = vector.broadcast %add3A_181 : i32 to vector<16xi32>
      %lt3A_183 = arith.cmpi slt, %get3A_177, %lt3A_182 : vector<16xi32>
      %and3A_184 = arith.andi %ge3A_179, %lt3A_183 : vector<16xi1>
      %sub3A_185 = vector.broadcast %mul3A_10 : i32 to vector<16xi32>
      %sub3A_186 = arith.subi %get3A_177, %sub3A_185 : vector<16xi32>
      %jit3A_187 = arith.constant 5127 : i32
      %broadcast_in_dim3A_188 = vector.broadcast %jit3A_187 : i32 to vector<16xi32>
      %select_n3A_189 = arith.select %and3A_184, %sub3A_186, %broadcast_in_dim3A_188 : vector<16xi1>, vector<16xi32>
      %swap3A_190 = arith.constant 3 : i32
      %swap3A_191 = arith.index_cast %swap3A_190 : i32 to index
      %swap3A_192 = arith.constant 16 : index
      %swap3A_193 = tpu.vector_load %arg9[%swap3A_191, %swap3A_192] {strides = array<i32>} : memref<8x32xi32, #tpu.memory_space<vmem>>, vector<1x16xi32>,
      %swap3A_194 = vector.shape_cast %swap3A_193 : vector<1x16xi32> to vector<16xi32>
      %swap3A_195 = vector.shape_cast %select_n3A_189 : vector<16xi32> to vector<1x16xi32>
      tpu.vector_store %arg9[%swap3A_191, %swap3A_192], %swap3A_195 {strides = array<i32>} : memref<8x32xi32, #tpu.memory_space<vmem>>, vector<1x16xi32>,
      %get3A_196 = arith.constant 4 : i32
      %get3A_197 = arith.index_cast %get3A_196 : i32 to index
      %get3A_198 = arith.constant 0 : index
      %get3A_199 = tpu.vector_load %arg8[%get3A_197, %get3A_198] {strides = array<i32>} : memref<8x32xi32, #tpu.memory_space<vmem>>, vector<1x16xi32>,
      %get3A_200 = vector.shape_cast %get3A_199 : vector<1x16xi32> to vector<16xi32>
      %ge3A_201 = vector.broadcast %mul3A_10 : i32 to vector<16xi32>
      %ge3A_202 = arith.cmpi sge, %get3A_200, %ge3A_201 : vector<16xi32>
      %add3A_203 = arith.constant 5120 : i32
      %add3A_204 = arith.addi %mul3A_10, %add3A_203 : i32
      %lt3A_205 = vector.broadcast %add3A_204 : i32 to vector<16xi32>
      %lt3A_206 = arith.cmpi slt, %get3A_200, %lt3A_205 : vector<16xi32>
      %and3A_207 = arith.andi %ge3A_202, %lt3A_206 : vector<16xi1>
      %sub3A_208 = vector.broadcast %mul3A_10 : i32 to vector<16xi32>
      %sub3A_209 = arith.subi %get3A_200, %sub3A_208 : vector<16xi32>
      %jit3A_210 = arith.constant 5127 : i32
      %broadcast_in_dim3A_211 = vector.broadcast %jit3A_210 : i32 to vector<16xi32>
      %select_n3A_212 = arith.select %and3A_207, %sub3A_209, %broadcast_in_dim3A_211 : vector<16xi1>, vector<16xi32>
      %swap3A_213 = arith.constant 4 : i32
      %swap3A_214 = arith.index_cast %swap3A_213 : i32 to index
      %swap3A_215 = arith.constant 0 : index
      %swap3A_216 = tpu.vector_load %arg9[%swap3A_214, %swap3A_215] {strides = array<i32>} : memref<8x32xi32, #tpu.memory_space<vmem>>, vector<1x16xi32>,
      %swap3A_217 = vector.shape_cast %swap3A_216 : vector<1x16xi32> to vector<16xi32>
      %swap3A_218 = vector.shape_cast %select_n3A_212 : vector<16xi32> to vector<1x16xi32>
      tpu.vector_store %arg9[%swap3A_214, %swap3A_215], %swap3A_218 {strides = array<i32>} : memref<8x32xi32, #tpu.memory_space<vmem>>, vector<1x16xi32>,
      %get3A_219 = arith.constant 4 : i32
      %get3A_220 = arith.index_cast %get3A_219 : i32 to index
      %get3A_221 = arith.constant 16 : index
      %get3A_222 = tpu.vector_load %arg8[%get3A_220, %get3A_221] {strides = array<i32>} : memref<8x32xi32, #tpu.memory_space<vmem>>, vector<1x16xi32>,
      %get3A_223 = vector.shape_cast %get3A_222 : vector<1x16xi32> to vector<16xi32>
      %ge3A_224 = vector.broadcast %mul3A_10 : i32 to vector<16xi32>
      %ge3A_225 = arith.cmpi sge, %get3A_223, %ge3A_224 : vector<16xi32>
      %add3A_226 = arith.constant 5120 : i32
      %add3A_227 = arith.addi %mul3A_10, %add3A_226 : i32
      %lt3A_228 = vector.broadcast %add3A_227 : i32 to vector<16xi32>
      %lt3A_229 = arith.cmpi slt, %get3A_223, %lt3A_228 : vector<16xi32>
      %and3A_230 = arith.andi %ge3A_225, %lt3A_229 : vector<16xi1>
      %sub3A_231 = vector.broadcast %mul3A_10 : i32 to vector<16xi32>
      %sub3A_232 = arith.subi %get3A_223, %sub3A_231 : vector<16xi32>
      %jit3A_233 = arith.constant 5127 : i32
      %broadcast_in_dim3A_234 = vector.broadcast %jit3A_233 : i32 to vector<16xi32>
      %select_n3A_235 = arith.select %and3A_230, %sub3A_232, %broadcast_in_dim3A_234 : vector<16xi1>, vector<16xi32>
      %swap3A_236 = arith.constant 4 : i32
      %swap3A_237 = arith.index_cast %swap3A_236 : i32 to index
      %swap3A_238 = arith.constant 16 : index
      %swap3A_239 = tpu.vector_load %arg9[%swap3A_237, %swap3A_238] {strides = array<i32>} : memref<8x32xi32, #tpu.memory_space<vmem>>, vector<1x16xi32>,
      %swap3A_240 = vector.shape_cast %swap3A_239 : vector<1x16xi32> to vector<16xi32>
      %swap3A_241 = vector.shape_cast %select_n3A_235 : vector<16xi32> to vector<1x16xi32>
      tpu.vector_store %arg9[%swap3A_237, %swap3A_238], %swap3A_241 {strides = array<i32>} : memref<8x32xi32, #tpu.memory_space<vmem>>, vector<1x16xi32>,
      %get3A_242 = arith.constant 5 : i32
      %get3A_243 = arith.index_cast %get3A_242 : i32 to index
      %get3A_244 = arith.constant 0 : index
      %get3A_245 = tpu.vector_load %arg8[%get3A_243, %get3A_244] {strides = array<i32>} : memref<8x32xi32, #tpu.memory_space<vmem>>, vector<1x16xi32>,
      %get3A_246 = vector.shape_cast %get3A_245 : vector<1x16xi32> to vector<16xi32>
      %ge3A_247 = vector.broadcast %mul3A_10 : i32 to vector<16xi32>
      %ge3A_248 = arith.cmpi sge, %get3A_246, %ge3A_247 : vector<16xi32>
      %add3A_249 = arith.constant 5120 : i32
      %add3A_250 = arith.addi %mul3A_10, %add3A_249 : i32
      %lt3A_251 = vector.broadcast %add3A_250 : i32 to vector<16xi32>
      %lt3A_252 = arith.cmpi slt, %get3A_246, %lt3A_251 : vector<16xi32>
      %and3A_253 = arith.andi %ge3A_248, %lt3A_252 : vector<16xi1>
      %sub3A_254 = vector.broadcast %mul3A_10 : i32 to vector<16xi32>
      %sub3A_255 = arith.subi %get3A_246, %sub3A_254 : vector<16xi32>
      %jit3A_256 = arith.constant 5127 : i32
      %broadcast_in_dim3A_257 = vector.broadcast %jit3A_256 : i32 to vector<16xi32>
      %select_n3A_258 = arith.select %and3A_253, %sub3A_255, %broadcast_in_dim3A_257 : vector<16xi1>, vector<16xi32>
      %swap3A_259 = arith.constant 5 : i32
      %swap3A_260 = arith.index_cast %swap3A_259 : i32 to index
      %swap3A_261 = arith.constant 0 : index
      %swap3A_262 = tpu.vector_load %arg9[%swap3A_260, %swap3A_261] {strides = array<i32>} : memref<8x32xi32, #tpu.memory_space<vmem>>, vector<1x16xi32>,
      %swap3A_263 = vector.shape_cast %swap3A_262 : vector<1x16xi32> to vector<16xi32>
      %swap3A_264 = vector.shape_cast %select_n3A_258 : vector<16xi32> to vector<1x16xi32>
      tpu.vector_store %arg9[%swap3A_260, %swap3A_261], %swap3A_264 {strides = array<i32>} : memref<8x32xi32, #tpu.memory_space<vmem>>, vector<1x16xi32>,
      %get3A_265 = arith.constant 5 : i32
      %get3A_266 = arith.index_cast %get3A_265 : i32 to index
      %get3A_267 = arith.constant 16 : index
      %get3A_268 = tpu.vector_load %arg8[%get3A_266, %get3A_267] {strides = array<i32>} : memref<8x32xi32, #tpu.memory_space<vmem>>, vector<1x16xi32>,
      %get3A_269 = vector.shape_cast %get3A_268 : vector<1x16xi32> to vector<16xi32>
      %ge3A_270 = vector.broadcast %mul3A_10 : i32 to vector<16xi32>
      %ge3A_271 = arith.cmpi sge, %get3A_269, %ge3A_270 : vector<16xi32>
      %add3A_272 = arith.constant 5120 : i32
      %add3A_273 = arith.addi %mul3A_10, %add3A_272 : i32
      %lt3A_274 = vector.broadcast %add3A_273 : i32 to vector<16xi32>
      %lt3A_275 = arith.cmpi slt, %get3A_269, %lt3A_274 : vector<16xi32>
      %and3A_276 = arith.andi %ge3A_271, %lt3A_275 : vector<16xi1>
      %sub3A_277 = vector.broadcast %mul3A_10 : i32 to vector<16xi32>
      %sub3A_278 = arith.subi %get3A_269, %sub3A_277 : vector<16xi32>
      %jit3A_279 = arith.constant 5127 : i32
      %broadcast_in_dim3A_280 = vector.broadcast %jit3A_279 : i32 to vector<16xi32>
      %select_n3A_281 = arith.select %and3A_276, %sub3A_278, %broadcast_in_dim3A_280 : vector<16xi1>, vector<16xi32>
      %swap3A_282 = arith.constant 5 : i32
      %swap3A_283 = arith.index_cast %swap3A_282 : i32 to index
      %swap3A_284 = arith.constant 16 : index
      %swap3A_285 = tpu.vector_load %arg9[%swap3A_283, %swap3A_284] {strides = array<i32>} : memref<8x32xi32, #tpu.memory_space<vmem>>, vector<1x16xi32>,
      %swap3A_286 = vector.shape_cast %swap3A_285 : vector<1x16xi32> to vector<16xi32>
      %swap3A_287 = vector.shape_cast %select_n3A_281 : vector<16xi32> to vector<1x16xi32>
      tpu.vector_store %arg9[%swap3A_283, %swap3A_284], %swap3A_287 {strides = array<i32>} : memref<8x32xi32, #tpu.memory_space<vmem>>, vector<1x16xi32>,
      %get3A_288 = arith.constant 6 : i32
      %get3A_289 = arith.index_cast %get3A_288 : i32 to index
      %get3A_290 = arith.constant 0 : index
      %get3A_291 = tpu.vector_load %arg8[%get3A_289, %get3A_290] {strides = array<i32>} : memref<8x32xi32, #tpu.memory_space<vmem>>, vector<1x16xi32>,
      %get3A_292 = vector.shape_cast %get3A_291 : vector<1x16xi32> to vector<16xi32>
      %ge3A_293 = vector.broadcast %mul3A_10 : i32 to vector<16xi32>
      %ge3A_294 = arith.cmpi sge, %get3A_292, %ge3A_293 : vector<16xi32>
      %add3A_295 = arith.constant 5120 : i32
      %add3A_296 = arith.addi %mul3A_10, %add3A_295 : i32
      %lt3A_297 = vector.broadcast %add3A_296 : i32 to vector<16xi32>
      %lt3A_298 = arith.cmpi slt, %get3A_292, %lt3A_297 : vector<16xi32>
      %and3A_299 = arith.andi %ge3A_294, %lt3A_298 : vector<16xi1>
      %sub3A_300 = vector.broadcast %mul3A_10 : i32 to vector<16xi32>
      %sub3A_301 = arith.subi %get3A_292, %sub3A_300 : vector<16xi32>
      %jit3A_302 = arith.constant 5127 : i32
      %broadcast_in_dim3A_303 = vector.broadcast %jit3A_302 : i32 to vector<16xi32>
      %select_n3A_304 = arith.select %and3A_299, %sub3A_301, %broadcast_in_dim3A_303 : vector<16xi1>, vector<16xi32>
      %swap3A_305 = arith.constant 6 : i32
      %swap3A_306 = arith.index_cast %swap3A_305 : i32 to index
      %swap3A_307 = arith.constant 0 : index
      %swap3A_308 = tpu.vector_load %arg9[%swap3A_306, %swap3A_307] {strides = array<i32>} : memref<8x32xi32, #tpu.memory_space<vmem>>, vector<1x16xi32>,
      %swap3A_309 = vector.shape_cast %swap3A_308 : vector<1x16xi32> to vector<16xi32>
      %swap3A_310 = vector.shape_cast %select_n3A_304 : vector<16xi32> to vector<1x16xi32>
      tpu.vector_store %arg9[%swap3A_306, %swap3A_307], %swap3A_310 {strides = array<i32>} : memref<8x32xi32, #tpu.memory_space<vmem>>, vector<1x16xi32>,
      %get3A_311 = arith.constant 6 : i32
      %get3A_312 = arith.index_cast %get3A_311 : i32 to index
      %get3A_313 = arith.constant 16 : index
      %get3A_314 = tpu.vector_load %arg8[%get3A_312, %get3A_313] {strides = array<i32>} : memref<8x32xi32, #tpu.memory_space<vmem>>, vector<1x16xi32>,
      %get3A_315 = vector.shape_cast %get3A_314 : vector<1x16xi32> to vector<16xi32>
      %ge3A_316 = vector.broadcast %mul3A_10 : i32 to vector<16xi32>
      %ge3A_317 = arith.cmpi sge, %get3A_315, %ge3A_316 : vector<16xi32>
      %add3A_318 = arith.constant 5120 : i32
      %add3A_319 = arith.addi %mul3A_10, %add3A_318 : i32
      %lt3A_320 = vector.broadcast %add3A_319 : i32 to vector<16xi32>
      %lt3A_321 = arith.cmpi slt, %get3A_315, %lt3A_320 : vector<16xi32>
      %and3A_322 = arith.andi %ge3A_317, %lt3A_321 : vector<16xi1>
      %sub3A_323 = vector.broadcast %mul3A_10 : i32 to vector<16xi32>
      %sub3A_324 = arith.subi %get3A_315, %sub3A_323 : vector<16xi32>
      %jit3A_325 = arith.constant 5127 : i32
      %broadcast_in_dim3A_326 = vector.broadcast %jit3A_325 : i32 to vector<16xi32>
      %select_n3A_327 = arith.select %and3A_322, %sub3A_324, %broadcast_in_dim3A_326 : vector<16xi1>, vector<16xi32>
      %swap3A_328 = arith.constant 6 : i32
      %swap3A_329 = arith.index_cast %swap3A_328 : i32 to index
      %swap3A_330 = arith.constant 16 : index
      %swap3A_331 = tpu.vector_load %arg9[%swap3A_329, %swap3A_330] {strides = array<i32>} : memref<8x32xi32, #tpu.memory_space<vmem>>, vector<1x16xi32>,
      %swap3A_332 = vector.shape_cast %swap3A_331 : vector<1x16xi32> to vector<16xi32>
      %swap3A_333 = vector.shape_cast %select_n3A_327 : vector<16xi32> to vector<1x16xi32>
      tpu.vector_store %arg9[%swap3A_329, %swap3A_330], %swap3A_333 {strides = array<i32>} : memref<8x32xi32, #tpu.memory_space<vmem>>, vector<1x16xi32>,
      %get3A_334 = arith.constant 7 : i32
      %get3A_335 = arith.index_cast %get3A_334 : i32 to index
      %get3A_336 = arith.constant 0 : index
      %get3A_337 = tpu.vector_load %arg8[%get3A_335, %get3A_336] {strides = array<i32>} : memref<8x32xi32, #tpu.memory_space<vmem>>, vector<1x16xi32>,
      %get3A_338 = vector.shape_cast %get3A_337 : vector<1x16xi32> to vector<16xi32>
      %ge3A_339 = vector.broadcast %mul3A_10 : i32 to vector<16xi32>
      %ge3A_340 = arith.cmpi sge, %get3A_338, %ge3A_339 : vector<16xi32>
      %add3A_341 = arith.constant 5120 : i32
      %add3A_342 = arith.addi %mul3A_10, %add3A_341 : i32
      %lt3A_343 = vector.broadcast %add3A_342 : i32 to vector<16xi32>
      %lt3A_344 = arith.cmpi slt, %get3A_338, %lt3A_343 : vector<16xi32>
      %and3A_345 = arith.andi %ge3A_340, %lt3A_344 : vector<16xi1>
      %sub3A_346 = vector.broadcast %mul3A_10 : i32 to vector<16xi32>
      %sub3A_347 = arith.subi %get3A_338, %sub3A_346 : vector<16xi32>
      %jit3A_348 = arith.constant 5127 : i32
      %broadcast_in_dim3A_349 = vector.broadcast %jit3A_348 : i32 to vector<16xi32>
      %select_n3A_350 = arith.select %and3A_345, %sub3A_347, %broadcast_in_dim3A_349 : vector<16xi1>, vector<16xi32>
      %swap3A_351 = arith.constant 7 : i32
      %swap3A_352 = arith.index_cast %swap3A_351 : i32 to index
      %swap3A_353 = arith.constant 0 : index
      %swap3A_354 = tpu.vector_load %arg9[%swap3A_352, %swap3A_353] {strides = array<i32>} : memref<8x32xi32, #tpu.memory_space<vmem>>, vector<1x16xi32>,
      %swap3A_355 = vector.shape_cast %swap3A_354 : vector<1x16xi32> to vector<16xi32>
      %swap3A_356 = vector.shape_cast %select_n3A_350 : vector<16xi32> to vector<1x16xi32>
      tpu.vector_store %arg9[%swap3A_352, %swap3A_353], %swap3A_356 {strides = array<i32>} : memref<8x32xi32, #tpu.memory_space<vmem>>, vector<1x16xi32>,
      %get3A_357 = arith.constant 7 : i32
      %get3A_358 = arith.index_cast %get3A_357 : i32 to index
      %get3A_359 = arith.constant 16 : index
      %get3A_360 = tpu.vector_load %arg8[%get3A_358, %get3A_359] {strides = array<i32>} : memref<8x32xi32, #tpu.memory_space<vmem>>, vector<1x16xi32>,
      %get3A_361 = vector.shape_cast %get3A_360 : vector<1x16xi32> to vector<16xi32>
      %ge3A_362 = vector.broadcast %mul3A_10 : i32 to vector<16xi32>
      %ge3A_363 = arith.cmpi sge, %get3A_361, %ge3A_362 : vector<16xi32>
      %add3A_364 = arith.constant 5120 : i32
      %add3A_365 = arith.addi %mul3A_10, %add3A_364 : i32
      %lt3A_366 = vector.broadcast %add3A_365 : i32 to vector<16xi32>
      %lt3A_367 = arith.cmpi slt, %get3A_361, %lt3A_366 : vector<16xi32>
      %and3A_368 = arith.andi %ge3A_363, %lt3A_367 : vector<16xi1>
      %sub3A_369 = vector.broadcast %mul3A_10 : i32 to vector<16xi32>
      %sub3A_370 = arith.subi %get3A_361, %sub3A_369 : vector<16xi32>
      %jit3A_371 = arith.constant 5127 : i32
      %broadcast_in_dim3A_372 = vector.broadcast %jit3A_371 : i32 to vector<16xi32>
      %select_n3A_373 = arith.select %and3A_368, %sub3A_370, %broadcast_in_dim3A_372 : vector<16xi1>, vector<16xi32>
      %swap3A_374 = arith.constant 7 : i32
      %swap3A_375 = arith.index_cast %swap3A_374 : i32 to index
      %swap3A_376 = arith.constant 16 : index
      %swap3A_377 = tpu.vector_load %arg9[%swap3A_375, %swap3A_376] {strides = array<i32>} : memref<8x32xi32, #tpu.memory_space<vmem>>, vector<1x16xi32>,
      %swap3A_378 = vector.shape_cast %swap3A_377 : vector<1x16xi32> to vector<16xi32>
      %swap3A_379 = vector.shape_cast %select_n3A_373 : vector<16xi32> to vector<1x16xi32>
      tpu.vector_store %arg9[%swap3A_375, %swap3A_376], %swap3A_379 {strides = array<i32>} : memref<8x32xi32, #tpu.memory_space<vmem>>, vector<1x16xi32>,
      %scan3A_380 = arith.constant 0 : i32
      %scan3A_381 = arith.constant 0 : i32
      %scan3A_382 = arith.constant 8 : i32
      %scan3A_383 = arith.addi %scan3A_381, %scan3A_382 : i32
      %scan3A_384 = arith.constant 1 : i32
      scf.for %scan3A_386 = %scan3A_381 to %scan3A_383 step %scan3A_384  : i32 {
        %dma_start3A = arith.constant 0 : i32
        %dma_start3A_387 = tpu.memref_slice %arg7[%scan3A_386, %dma_start3A] : memref<8x32xi32, #tpu.memory_space<vmem>> -> memref<1x32xi32, #tpu.memory_space<vmem>>
        %dma_start3A_388 = tpu.memref_squeeze %dma_start3A_387 : memref<1x32xi32, #tpu.memory_space<vmem>> -> memref<32xi32, #tpu.memory_space<vmem>>
        %dma_start3A_389 = arith.constant 0 : i32
        %dma_start3A_390 = arith.constant 0 : i32
        %dma_start3A_391 = tpu.memref_slice %arg12[%dma_start3A_389, %dma_start3A_390] : memref<10000x128xf32, #tpu.memory_space<vmem_shared>> -> memref<10000x128xf32, #tpu.memory_space<vmem_shared>>
        tpu.enqueue_indirect_dma source(%dma_start3A_391 : memref<10000x128xf32, #tpu.memory_space<vmem_shared>>) target(%arg10 : memref<32x128xf32, #tpu.memory_space<vmem>>) offsets(%dma_start3A_388 : memref<32xi32, #tpu.memory_space<vmem>>) semaphore(%arg11 : memref<!tpu.dma_semaphore, #tpu.memory_space<semaphore_mem>>)
        %dma_wait3A = arith.constant 0 : i32
        %dma_wait3A_392 = tpu.memref_slice %arg7[%scan3A_386, %dma_wait3A] : memref<8x32xi32, #tpu.memory_space<vmem>> -> memref<1x32xi32, #tpu.memory_space<vmem>>
        %dma_wait3A_393 = tpu.memref_squeeze %dma_wait3A_392 : memref<1x32xi32, #tpu.memory_space<vmem>> -> memref<32xi32, #tpu.memory_space<vmem>>
        %dma_wait3A_394 = arith.constant 0 : i32
        %dma_wait3A_395 = arith.constant 0 : i32
        %dma_wait3A_396 = tpu.memref_slice %arg12[%dma_wait3A_394, %dma_wait3A_395] : memref<10000x128xf32, #tpu.memory_space<vmem_shared>> -> memref<10000x128xf32, #tpu.memory_space<vmem_shared>>
        tpu.wait_indirect_dma semaphore(%arg11 : memref<!tpu.dma_semaphore, #tpu.memory_space<semaphore_mem>>) src(%dma_wait3A_396 : memref<10000x128xf32, #tpu.memory_space<vmem_shared>>) dst(%arg10 : memref<32x128xf32, #tpu.memory_space<vmem>>)
        "tpu.region"() ({
          %run_scoped3A = tpu.sem_alloc : memref<!tpu.dma_semaphore, #tpu.memory_space<semaphore_mem>>
          %dma_start3A_397 = arith.constant 0 : i32
          %dma_start3A_398 = tpu.memref_slice %arg9[%scan3A_386, %dma_start3A_397] : memref<8x32xi32, #tpu.memory_space<vmem>> -> memref<1x32xi32, #tpu.memory_space<vmem>>
          %dma_start3A_399 = tpu.memref_squeeze %dma_start3A_398 : memref<1x32xi32, #tpu.memory_space<vmem>> -> memref<32xi32, #tpu.memory_space<vmem>>
          %dma_start3A_400 = arith.constant 0 : i32
          %dma_start3A_401 = arith.constant 0 : i32
          %dma_start3A_402 = tpu.memref_slice %arg13[%dma_start3A_400, %dma_start3A_401] : memref<5248x128xf32, #tpu.memory_space<vmem_shared>> -> memref<5248x128xf32, #tpu.memory_space<vmem_shared>>
          tpu.enqueue_indirect_dma source(%arg10 : memref<32x128xf32, #tpu.memory_space<vmem>>) target(%dma_start3A_402 : memref<5248x128xf32, #tpu.memory_space<vmem_shared>>) offsets(%dma_start3A_399 : memref<32xi32, #tpu.memory_space<vmem>>) semaphore(%run_scoped3A : memref<!tpu.dma_semaphore, #tpu.memory_space<semaphore_mem>>) {add = true}
          %dma_wait3A_403 = arith.constant 0 : i32
          %dma_wait3A_404 = tpu.memref_slice %arg9[%scan3A_386, %dma_wait3A_403] : memref<8x32xi32, #tpu.memory_space<vmem>> -> memref<1x32xi32, #tpu.memory_space<vmem>>
          %dma_wait3A_405 = tpu.memref_squeeze %dma_wait3A_404 : memref<1x32xi32, #tpu.memory_space<vmem>> -> memref<32xi32, #tpu.memory_space<vmem>>
          %dma_wait3A_406 = arith.constant 0 : i32
          %dma_wait3A_407 = arith.constant 0 : i32
          %dma_wait3A_408 = tpu.memref_slice %arg13[%dma_wait3A_406, %dma_wait3A_407] : memref<5248x128xf32, #tpu.memory_space<vmem_shared>> -> memref<5248x128xf32, #tpu.memory_space<vmem_shared>>
          tpu.wait_indirect_dma semaphore(%run_scoped3A : memref<!tpu.dma_semaphore, #tpu.memory_space<semaphore_mem>>) src(%arg10 : memref<32x128xf32, #tpu.memory_space<vmem>>) dst(%dma_wait3A_408 : memref<5248x128xf32, #tpu.memory_space<vmem_shared>>)
          tpu.yield
        }) : () -> ()
      }
      %scan3A_385 = arith.constant 8 : i32
    }
    %scan3A_15 = arith.constant 80 : i32
    %barrier3A_16 = arith.constant 0 : index
    tpu.barrier barrier_id(%barrier3A_16)
    "tpu.region"() ({
      %run_scoped3A = tpu.sem_alloc : memref<!tpu.dma_semaphore, #tpu.memory_space<semaphore_mem>>
      %dma_start3A = arith.constant 0 : i32
      %dma_start3A_17 = tpu.memref_slice %arg6[%arg0, %mul3A_0, %dma_start3A] : memref<2x5248x128xf32, #tpu.memory_space<hbm>> -> memref<1x328x128xf32, #tpu.memory_space<hbm>>
      %dma_start3A_18 = tpu.memref_squeeze %dma_start3A_17 : memref<1x328x128xf32, #tpu.memory_space<hbm>> -> memref<328x128xf32, #tpu.memory_space<hbm>>
      %dma_start3A_19 = arith.constant 0 : i32
      %dma_start3A_20 = tpu.memref_slice %arg13[%mul3A_0, %dma_start3A_19] : memref<5248x128xf32, #tpu.memory_space<vmem_shared>> -> memref<328x128xf32, #tpu.memory_space<vmem_shared>>
      tpu.enqueue_dma source(%dma_start3A_20 : memref<328x128xf32, #tpu.memory_space<vmem_shared>>) target(%dma_start3A_18 : memref<328x128xf32, #tpu.memory_space<hbm>>) target_semaphore(%run_scoped3A : memref<!tpu.dma_semaphore, #tpu.memory_space<semaphore_mem>>)
      %dma_wait3A = arith.constant 0 : i32
      %dma_wait3A_21 = tpu.memref_slice %arg6[%arg0, %mul3A_0, %dma_wait3A] : memref<2x5248x128xf32, #tpu.memory_space<hbm>> -> memref<1x328x128xf32, #tpu.memory_space<hbm>>
      %dma_wait3A_22 = tpu.memref_squeeze %dma_wait3A_21 : memref<1x328x128xf32, #tpu.memory_space<hbm>> -> memref<328x128xf32, #tpu.memory_space<hbm>>
      %dma_wait3A_23 = arith.constant 0 : i32
      %dma_wait3A_24 = tpu.memref_slice %arg13[%mul3A_0, %dma_wait3A_23] : memref<5248x128xf32, #tpu.memory_space<vmem_shared>> -> memref<328x128xf32, #tpu.memory_space<vmem_shared>>
      tpu.wait_dma2 semaphore(%run_scoped3A : memref<!tpu.dma_semaphore, #tpu.memory_space<semaphore_mem>>) src(%dma_wait3A_24 : memref<328x128xf32, #tpu.memory_space<vmem_shared>>) dst(%dma_wait3A_22 : memref<328x128xf32, #tpu.memory_space<hbm>>)
      tpu.yield
    }) : () -> ()
    return
  }
}

module attributes {stable_mosaic.version = 14 : i64} {
  func.func @_mm_body(%arg0: i32, %arg1: memref<2048x128xf32, #tpu.memory_space<vmem>>, %arg2: memref<128x128xf32, #tpu.memory_space<vmem>>, %arg3: memref<2048x128xf32, #tpu.memory_space<vmem>>) attributes {dimension_semantics = [#tpu.dimension_semantics<arbitrary>], iteration_bounds = array<i64: 5>, scalar_prefetch = 0 : i64, scratch_operands = 0 : i64, tpu.core_type = #tpu.core_type<tc>, window_params = [{transform_indices = @transform_0, window_bounds = array<i64: 2048, 128>}, {pipeline_mode = #tpu.pipeline_mode<synchronous>, transform_indices = @transform_1, window_bounds = array<i64: 128, 128>}, {transform_indices = @transform_2, window_bounds = array<i64: 2048, 128>}]} {
    %get3A = arith.constant 0 : index
    %get3A_0 = arith.constant 0 : index
    %get3A_1 = vector.load %arg1[%get3A, %get3A_0] : memref<2048x128xf32, #tpu.memory_space<vmem>>, vector<2048x128xf32>
    %get3A_2 = arith.constant 0 : index
    %get3A_3 = arith.constant 0 : index
    %get3A_4 = vector.load %arg2[%get3A_2, %get3A_3] : memref<128x128xf32, #tpu.memory_space<vmem>>, vector<128x128xf32>
    %dot_general3A = arith.constant dense<0.000000e+00> : vector<2048x128xf32>
    %dot_general3A_5 = tpu.matmul %get3A_1, %get3A_4, %dot_general3A {dimension_numbers = #tpu.dot_dimension_numbers<[1], [0], [0], [1], [0, 0, 1, 1], [], []>, precision = #tpu.contract_precision<fp32>, transpose_lhs_hint = false} : vector<2048x128xf32>, vector<128x128xf32>, vector<2048x128xf32> -> vector<2048x128xf32>
    %swap3A = arith.constant 0 : index
    %swap3A_6 = arith.constant 0 : index
    %swap3A_7 = vector.load %arg3[%swap3A, %swap3A_6] : memref<2048x128xf32, #tpu.memory_space<vmem>>, vector<2048x128xf32>
    tpu.vector_store %arg3[%swap3A, %swap3A_6], %dot_general3A_5 {strides = array<i32>} : memref<2048x128xf32, #tpu.memory_space<vmem>>, vector<2048x128xf32>,
    return
  }
  func.func @transform_0(%arg0: i32) -> (i32, i32) {
    %c0_i32 = arith.constant 0 : i32
    %c0_i32_0 = arith.constant 0 : i32
    return %arg0, %c0_i32 : i32, i32
  }
  func.func @transform_1(%arg0: i32) -> (i32, i32) {
    %c0_i32 = arith.constant 0 : i32
    %c0_i32_0 = arith.constant 0 : i32
    %c0_i32_1 = arith.constant 0 : i32
    return %c0_i32, %c0_i32_0 : i32, i32
  }
  func.func @transform_2(%arg0: i32) -> (i32, i32) {
    %c0_i32 = arith.constant 0 : i32
    %c0_i32_0 = arith.constant 0 : i32
    return %arg0, %c0_i32 : i32, i32
  }
}

module attributes {stable_mosaic.version = 14 : i64} {
  func.func @_scale_body(%arg0: i32, %arg1: memref<2048x128xf32, #tpu.memory_space<vmem>>, %arg2: memref<1x2048x16xf32, #tpu.memory_space<vmem>>, %arg3: memref<1x2048x16xf32, #tpu.memory_space<vmem>>, %arg4: memref<2048x128xf32, #tpu.memory_space<vmem>>, %arg5: memref<2048x128xf32, #tpu.memory_space<vmem>>) attributes {dimension_semantics = [#tpu.dimension_semantics<arbitrary>], iteration_bounds = array<i64: 5>, scalar_prefetch = 0 : i64, scratch_operands = 0 : i64, tpu.core_type = #tpu.core_type<tc>, window_params = [{transform_indices = @transform_0, window_bounds = array<i64: 2048, 128>}, {transform_indices = @transform_1, window_bounds = array<i64: 1, 2048, 16>}, {transform_indices = @transform_2, window_bounds = array<i64: 1, 2048, 16>}, {transform_indices = @transform_3, window_bounds = array<i64: 2048, 128>}, {transform_indices = @transform_4, window_bounds = array<i64: 2048, 128>}]} {
    %get3A = arith.constant 0 : index
    %get3A_0 = arith.constant 0 : index
    %get3A_1 = arith.constant 0 : index
    %get3A_2 = vector.load %arg2[%get3A, %get3A_0, %get3A_1] : memref<1x2048x16xf32, #tpu.memory_space<vmem>>, vector<1x2048x1xf32>
    %get3A_3 = vector.shape_cast %get3A_2 : vector<1x2048x1xf32> to vector<2048x1xf32>
    %get3A_4 = arith.constant 0 : index
    %get3A_5 = arith.constant 0 : index
    %get3A_6 = arith.constant 0 : index
    %get3A_7 = vector.load %arg3[%get3A_4, %get3A_5, %get3A_6] : memref<1x2048x16xf32, #tpu.memory_space<vmem>>, vector<1x2048x1xf32>
    %get3A_8 = vector.shape_cast %get3A_7 : vector<1x2048x1xf32> to vector<2048x1xf32>
    %add3A = arith.addf %get3A_3, %get3A_8 : vector<2048x1xf32>
    %add3A_9 = arith.constant 1.000000e+00 : f32
    %add3A_10 = vector.broadcast %add3A_9 : f32 to vector<2048x1xf32>
    %add3A_11 = arith.addf %add3A, %add3A_10 : vector<2048x1xf32>
    %rsqrt3A = math.rsqrt %add3A_11 : vector<2048x1xf32>
    %get3A_12 = arith.constant 0 : index
    %get3A_13 = arith.constant 0 : index
    %get3A_14 = vector.load %arg1[%get3A_12, %get3A_13] : memref<2048x128xf32, #tpu.memory_space<vmem>>, vector<2048x128xf32>
    %mul3A = vector.broadcast %rsqrt3A : vector<2048x1xf32> to vector<2048x128xf32>
    %mul3A_15 = arith.mulf %get3A_14, %mul3A : vector<2048x128xf32>
    %swap3A = arith.constant 0 : index
    %swap3A_16 = arith.constant 0 : index
    %swap3A_17 = vector.load %arg4[%swap3A, %swap3A_16] : memref<2048x128xf32, #tpu.memory_space<vmem>>, vector<2048x128xf32>
    tpu.vector_store %arg4[%swap3A, %swap3A_16], %mul3A_15 {strides = array<i32>} : memref<2048x128xf32, #tpu.memory_space<vmem>>, vector<2048x128xf32>,
    %mul3A_18 = vector.broadcast %rsqrt3A : vector<2048x1xf32> to vector<2048x128xf32>
    %mul3A_19 = arith.mulf %mul3A_15, %mul3A_18 : vector<2048x128xf32>
    %swap3A_20 = arith.constant 0 : index
    %swap3A_21 = arith.constant 0 : index
    %swap3A_22 = vector.load %arg5[%swap3A_20, %swap3A_21] : memref<2048x128xf32, #tpu.memory_space<vmem>>, vector<2048x128xf32>
    tpu.vector_store %arg5[%swap3A_20, %swap3A_21], %mul3A_19 {strides = array<i32>} : memref<2048x128xf32, #tpu.memory_space<vmem>>, vector<2048x128xf32>,
    return
  }
  func.func @transform_0(%arg0: i32) -> (i32, i32) {
    %c0_i32 = arith.constant 0 : i32
    %c0_i32_0 = arith.constant 0 : i32
    return %arg0, %c0_i32 : i32, i32
  }
  func.func @transform_1(%arg0: i32) -> (i32, i32, i32) {
    %c0_i32 = arith.constant 0 : i32
    %c0_i32_0 = arith.constant 0 : i32
    %c0_i32_1 = arith.constant 0 : i32
    return %c0_i32, %arg0, %c0_i32_0 : i32, i32, i32
  }
  func.func @transform_2(%arg0: i32) -> (i32, i32, i32) {
    %c1_i32 = arith.constant 1 : i32
    %c0_i32 = arith.constant 0 : i32
    %c0_i32_0 = arith.constant 0 : i32
    return %c1_i32, %arg0, %c0_i32 : i32, i32, i32
  }
  func.func @transform_3(%arg0: i32) -> (i32, i32) {
    %c0_i32 = arith.constant 0 : i32
    %c0_i32_0 = arith.constant 0 : i32
    return %arg0, %c0_i32 : i32, i32
  }
  func.func @transform_4(%arg0: i32) -> (i32, i32) {
    %c0_i32 = arith.constant 0 : i32
    %c0_i32_0 = arith.constant 0 : i32
    return %arg0, %c0_i32 : i32, i32
  }
}

module attributes {stable_mosaic.version = 14 : i64} {
  func.func @_out_body(%arg0: i32, %arg1: memref<1x1024x128xf32, #tpu.memory_space<vmem>>, %arg2: memref<1x1024x16xf32, #tpu.memory_space<vmem>>, %arg3: memref<1x1024x16xf32, #tpu.memory_space<vmem>>, %arg4: memref<1024x128xf32, #tpu.memory_space<vmem>>, %arg5: memref<128xf32, #tpu.memory_space<vmem>>, %arg6: memref<1024x128xf32, #tpu.memory_space<vmem>>) attributes {dimension_semantics = [#tpu.dimension_semantics<arbitrary>], iteration_bounds = array<i64: 10>, scalar_prefetch = 0 : i64, scratch_operands = 0 : i64, tpu.core_type = #tpu.core_type<tc>, window_params = [{transform_indices = @transform_0, window_bounds = array<i64: 1, 1024, 128>}, {transform_indices = @transform_1, window_bounds = array<i64: 1, 1024, 16>}, {transform_indices = @transform_2, window_bounds = array<i64: 1, 1024, 16>}, {transform_indices = @transform_3, window_bounds = array<i64: 1024, 128>}, {pipeline_mode = #tpu.pipeline_mode<synchronous>, transform_indices = @transform_4, window_bounds = array<i64: 128>}, {transform_indices = @transform_5, window_bounds = array<i64: 1024, 128>}]} {
    %get3A = arith.constant 0 : index
    %get3A_0 = arith.constant 0 : index
    %get3A_1 = arith.constant 0 : index
    %get3A_2 = vector.load %arg2[%get3A, %get3A_0, %get3A_1] : memref<1x1024x16xf32, #tpu.memory_space<vmem>>, vector<1x1024x1xf32>
    %get3A_3 = vector.shape_cast %get3A_2 : vector<1x1024x1xf32> to vector<1024x1xf32>
    %get3A_4 = arith.constant 0 : index
    %get3A_5 = arith.constant 0 : index
    %get3A_6 = arith.constant 0 : index
    %get3A_7 = vector.load %arg3[%get3A_4, %get3A_5, %get3A_6] : memref<1x1024x16xf32, #tpu.memory_space<vmem>>, vector<1x1024x1xf32>
    %get3A_8 = vector.shape_cast %get3A_7 : vector<1x1024x1xf32> to vector<1024x1xf32>
    %add3A = arith.addf %get3A_3, %get3A_8 : vector<1024x1xf32>
    %add3A_9 = arith.constant 1.000000e+00 : f32
    %add3A_10 = vector.broadcast %add3A_9 : f32 to vector<1024x1xf32>
    %add3A_11 = arith.addf %add3A, %add3A_10 : vector<1024x1xf32>
    %rsqrt3A = math.rsqrt %add3A_11 : vector<1024x1xf32>
    %get3A_12 = arith.constant 0 : index
    %get3A_13 = arith.constant 0 : index
    %get3A_14 = arith.constant 0 : index
    %get3A_15 = vector.load %arg1[%get3A_12, %get3A_13, %get3A_14] : memref<1x1024x128xf32, #tpu.memory_space<vmem>>, vector<1x1024x128xf32>
    %get3A_16 = vector.shape_cast %get3A_15 : vector<1x1024x128xf32> to vector<1024x128xf32>
    %mul3A = vector.broadcast %rsqrt3A : vector<1024x1xf32> to vector<1024x128xf32>
    %mul3A_17 = arith.mulf %get3A_16, %mul3A : vector<1024x128xf32>
    %get3A_18 = arith.constant 0 : index
    %get3A_19 = arith.constant 0 : index
    %get3A_20 = vector.load %arg4[%get3A_18, %get3A_19] : memref<1024x128xf32, #tpu.memory_space<vmem>>, vector<1024x128xf32>
    %add3A_21 = arith.addf %mul3A_17, %get3A_20 : vector<1024x128xf32>
    %get3A_22 = arith.constant 0 : index
    %get3A_23 = vector.load %arg5[%get3A_22] : memref<128xf32, #tpu.memory_space<vmem>>, vector<128xf32>
    %broadcast_in_dim3A = vector.shape_cast %get3A_23 : vector<128xf32> to vector<1x128xf32>
    %add3A_24 = vector.broadcast %broadcast_in_dim3A : vector<1x128xf32> to vector<1024x128xf32>
    %add3A_25 = arith.addf %add3A_21, %add3A_24 : vector<1024x128xf32>
    %swap3A = arith.constant 0 : index
    %swap3A_26 = arith.constant 0 : index
    %swap3A_27 = vector.load %arg6[%swap3A, %swap3A_26] : memref<1024x128xf32, #tpu.memory_space<vmem>>, vector<1024x128xf32>
    tpu.vector_store %arg6[%swap3A, %swap3A_26], %add3A_25 {strides = array<i32>} : memref<1024x128xf32, #tpu.memory_space<vmem>>, vector<1024x128xf32>,
    return
  }
  func.func @transform_0(%arg0: i32) -> (i32, i32, i32) {
    %jit3A = arith.constant 5 : i32
    %div3A = arith.divsi %arg0, %jit3A : i32
    %sign3A = arith.constant 0 : i32
    %sign3A_0 = arith.cmpi sgt, %arg0, %sign3A : i32
    %sign3A_1 = arith.extui %sign3A_0 : i1 to i32
    %sign3A_2 = arith.constant 0 : i32
    %sign3A_3 = arith.cmpi slt, %arg0, %sign3A_2 : i32
    %sign3A_4 = arith.extui %sign3A_3 : i1 to i32
    %sign3A_5 = arith.subi %sign3A_1, %sign3A_4 : i32
    %sign3A_6 = arith.constant 0 : i32
    %sign3A_7 = arith.cmpi sgt, %jit3A, %sign3A_6 : i32
    %sign3A_8 = arith.extui %sign3A_7 : i1 to i32
    %sign3A_9 = arith.constant 0 : i32
    %sign3A_10 = arith.cmpi slt, %jit3A, %sign3A_9 : i32
    %sign3A_11 = arith.extui %sign3A_10 : i1 to i32
    %sign3A_12 = arith.subi %sign3A_8, %sign3A_11 : i32
    %ne3A = arith.cmpi ne, %sign3A_5, %sign3A_12 : i32
    %rem3A = arith.remsi %arg0, %jit3A : i32
    %ne3A_13 = arith.constant 0 : i32
    %ne3A_14 = arith.cmpi ne, %rem3A, %ne3A_13 : i32
    %and3A = arith.andi %ne3A, %ne3A_14 : i1
    %sub3A = arith.constant 1 : i32
    %sub3A_15 = arith.subi %div3A, %sub3A : i32
    %select_n3A = arith.select %and3A, %sub3A_15, %div3A : i32
    %jit3A_16 = arith.constant 5 : i32
    %eq3A = arith.constant 0 : i32
    %eq3A_17 = arith.cmpi eq, %jit3A_16, %eq3A : i32
    %jit3A_18 = arith.constant 1 : i32
    %select_n3A_19 = arith.select %eq3A_17, %jit3A_18, %jit3A_16 : i32
    %rem3A_20 = arith.remsi %arg0, %select_n3A_19 : i32
    %ne3A_21 = arith.constant 0 : i32
    %ne3A_22 = arith.cmpi ne, %rem3A_20, %ne3A_21 : i32
    %lt3A = arith.constant 0 : i32
    %lt3A_23 = arith.cmpi slt, %rem3A_20, %lt3A : i32
    %lt3A_24 = arith.constant 0 : i32
    %lt3A_25 = arith.cmpi slt, %select_n3A_19, %lt3A_24 : i32
    %ne3A_26 = arith.xori %lt3A_23, %lt3A_25 : i1
    %and3A_27 = arith.andi %ne3A_26, %ne3A_22 : i1
    %add3A = arith.addi %rem3A_20, %select_n3A_19 : i32
    %select_n3A_28 = arith.select %and3A_27, %add3A, %rem3A_20 : i32
    %c0_i32 = arith.constant 0 : i32
    %c0_i32_29 = arith.constant 0 : i32
    return %select_n3A, %select_n3A_28, %c0_i32 : i32, i32, i32
  }
  func.func @transform_1(%arg0: i32) -> (i32, i32, i32) {
    %c0_i32 = arith.constant 0 : i32
    %c0_i32_0 = arith.constant 0 : i32
    %c0_i32_1 = arith.constant 0 : i32
    return %c0_i32, %arg0, %c0_i32_0 : i32, i32, i32
  }
  func.func @transform_2(%arg0: i32) -> (i32, i32, i32) {
    %c1_i32 = arith.constant 1 : i32
    %c0_i32 = arith.constant 0 : i32
    %c0_i32_0 = arith.constant 0 : i32
    return %c1_i32, %arg0, %c0_i32 : i32, i32, i32
  }
  func.func @transform_3(%arg0: i32) -> (i32, i32) {
    %c0_i32 = arith.constant 0 : i32
    %c0_i32_0 = arith.constant 0 : i32
    return %arg0, %c0_i32 : i32, i32
  }
  func.func @transform_4(%arg0: i32) -> i32 {
    %c0_i32 = arith.constant 0 : i32
    %c0_i32_0 = arith.constant 0 : i32
    return %c0_i32 : i32
  }
  func.func @transform_5(%arg0: i32) -> (i32, i32) {
    %c0_i32 = arith.constant 0 : i32
    %c0_i32_0 = arith.constant 0 : i32
    return %arg0, %c0_i32 : i32, i32
  }
}

</mosaic_0001>

<sc_bundles>
// kernel: kernel.10.cloned.1.call-start
scs
__scs_entry_jumppad:
0x0: {  	(pc) =	sbr.rel $0x88, $3  }
0x1: {  	(tag) =	ssettag $0x0;
	lr =	simm.s32 $0x1  }
0x2: {  	[smem:$0x3F9D] =	sst lr;
	_ =	strace $0xD0000000  }
0x3: {  	_ = 	snop  }
0x4: {  	_ = 	snop  }
0x5: {  	_ = 	snop  }
0x6: {  	_ = 	snop  }
0x7: {  	_ = 	snop  }
__scs_overlays_trampoline_lowered:
0x8: {  	[smem:$0x3FAC] =	sst s0  }
0x9: {  	[smem:$0x3FAD] =	sst s1  }
0xa: {  	[smem:$0x3FAE] =	sst s2  }
0xb: {  	[smem:$0x3FAF] =	sst s3  }
0xc: {  	[smem:$0x3FB0] =	sst s4  }
0xd: {  	[smem:$0x3FB1] =	sst s5  }
0xe: {  	[smem:$0x3FB2] =	sst s6  }
0xf: {  	[smem:$0x3FB3] =	sst s7  }
0x10: {  	[smem:$0x3FB4] =	sst s8  }
0x11: {  	[smem:$0x3FB5] =	sst s9;
	s0 =	simm.s32 @!p0 $0x0  }
0x12: {  	s1 =	sld [smem:$0x3F9B];
	s0 =	simm.s32 @p0 $0x1  }
0x13: {  	[smem:$0x3FB6] =	sst s0;
	s0 =	simm.s32 @!p1 $0x0  }
0x14: {  	s2 =	sld [smem:$0x3F9A];
	s0 =	simm.s32 @p1 $0x1  }
0x15: {  	[smem:$0x3FB7] =	sst s0;
	s0 =	simm.s32 @!p2 $0x0  }
0x16: {  	s3 =	sld [smem:$0x3FDB];
	s0 =	simm.s32 @p2 $0x1  }
0x17: {  	s4 =	simm.s32 $0x1BF5;
	[smem:$0x3FB9] =	sst s0  }
0x18: {  	s0 =	sld [smem:$0x3F9C];
	_ =	swait.ge [sflag:s4], $0x0  }
0x19: {  	s7 =	sld [smem:$0x3F9D]  }
0x1a: {  	s8 =	sadd.s32 $0xFFFFE003, lr  }
0x1b: {  	s9 =	sadd.s32 $0xFFFFFEF7, lr;
	s5 =	simm.s32 $0xFFFFFFFF;
	p2 =	slt.u32 s8, $0xFFFFF086  }
0x1c: {  	p1 =	slt.u32 s9, $0xF7A;
	s5 =	simm.s32 @!p2 $0x0  }
0x1d: {  	s5 =	simm.s32 @p1 $0x1;
	p0 =	seq.s32 s7, s2  }
0x1e: {  	s7 =	smul.u32 @!p0 $0xF7A, s2;
	p2 =	seq.s32 @!p0 s5, $0x0  }
0x1f: {  	s9 =	smul.u32 $0xF7A, s1;
	s8 =	simm.s32 @!p0 $0x1BF5;
	p2 =	por !p2, p0  }
0x20: {  	[sflag:s8] =	ssyncset.s32 @!p0 $0xFFFFF086;
	s6 =	sadd.s32 @!p0 s3, s7;
	s7 =	simm.s32 @!p0 $0x108  }
0x21: {  	s3 =	sadd.s32 s3, s9;
	s6 =	sadd.s32 @!p0 $0x88, s6;
	s7 =	simm.s32 @p2 $0x1082  }
0x22: {  	[simem:s7], [sflag:s8] =	dma.local @!p0 [hbm:s6], $0xF7A  }
0x23: {  	s9 =	sor.u32 $0xD0000000, s2;
	s6 =	simm.s32 $0x108;
	_ =	swait.ge @!p0 [sflag:s8], $0x0  }
0x24: {  	s3 =	sadd.s32 $0x88, s3;
	s6 =	simm.s32 @!p1 $0x1082;
	[sflag:s4] =	ssyncset.s32 $0xFFFFF086  }
0x25: {  	[simem:s6], [sflag:s4] =	dma.local [hbm:s3], $0xF7A  }
0x26: {  	[smem:$0x3F9D] =	sst s1;
	(tag) =	ssettag s2;
	_ =	strace s9  }
0x27: {  	s1 =	sld [smem:$0x3FAD]  }
0x28: {  	s2 =	sld [smem:$0x3FAE]  }
0x29: {  	s4 =	sld [smem:$0x3FB0]  }
0x2a: {  	p0 =	seq.s32 s5, $0x0;
	s5 =	sld [smem:$0x3FB1]  }
0x2b: {  	s6 =	sld [smem:$0x3FB2]  }
0x2c: {  	s7 =	sld [smem:$0x3FB3]  }
0x2d: {  	s3 =	simm.s32 $0x108;
	s8 =	sld [smem:$0x3FB4]  }
0x2e: {  	s3 =	simm.s32 @!p0 $0x1082;
	s9 =	sld [smem:$0x3FB5]  }
0x2f: {  	lr =	sadd.s32 s0, s3;
	s0 =	sld [smem:$0x3FAC]  }
0x30: {  	s3 =	sld [smem:$0x3FAF]  }
0x31: {  	[smem:$0x3FB8] =	sst s10  }
0x32: {  	s10 =	sld [smem:$0x3FB6];
	_ =	sdelay $0x3  }
0x33: {  	p0 =	seq.s32 s10, $0x1;
	s10 =	sld [smem:$0x3FB8];
	_ =	sdelay $0x3  }
0x34: {  	[smem:$0x3FB8] =	sst s10  }
0x35: {  	s10 =	sld [smem:$0x3FB7];
	_ =	sdelay $0x3  }
0x36: {  	p1 =	seq.s32 s10, $0x1;
	s10 =	sld [smem:$0x3FB8];
	_ =	sdelay $0x3  }
0x37: {  	[smem:$0x3FB8] =	sst s10  }
0x38: {  	s10 =	sld [smem:$0x3FB9]  }
0x39: {  	_ = 	snop;
	(pc) =	sbr.ind lr, $3  }
0x3a: {  	_ = 	snop  }
0x3b: {  	_ = 	snop  }
0x3c: {  	p2 =	seq.s32 s10, $0x1;
	s10 =	sld [smem:$0x3FB8]  }
0x3d: {  	_ =	shalt  }
0x3e: {  	_ =	shalt  }
0x3f: {  	_ =	shalt  }
0x40: {  	_ =	shalt  }
0x41: {  	_ =	shalt  }
0x42: {  	_ =	shalt  }
0x43: {  	_ =	shalt  }
0x44: {  	_ =	shalt  }
0x45: {  	_ =	shalt  }
0x46: {  	_ =	shalt  }
0x47: {  	_ =	shalt  }
0x48: {  	_ =	shalt  }
0x49: {  	_ =	shalt  }
0x4a: {  	_ =	shalt  }
0x4b: {  	_ =	shalt  }
0x4c: {  	_ =	shalt  }
0x4d: {  	_ =	shalt  }
0x4e: {  	_ =	shalt  }
0x4f: {  	_ =	shalt  }
0x50: {  	_ =	shalt  }
0x51: {  	_ =	shalt  }
0x52: {  	_ =	shalt  }
0x53: {  	_ =	shalt  }
0x54: {  	_ =	shalt  }
0x55: {  	_ =	shalt  }
0x56: {  	_ =	shalt  }
0x57: {  	_ =	shalt  }
0x58: {  	_ =	shalt  }
0x59: {  	_ =	shalt  }
0x5a: {  	_ =	shalt  }
0x5b: {  	_ =	shalt  }
0x5c: {  	_ =	shalt  }
0x5d: {  	_ =	shalt  }
0x5e: {  	_ =	shalt  }
0x5f: {  	_ =	shalt  }
0x60: {  	_ =	shalt  }
0x61: {  	_ =	shalt  }
0x62: {  	_ =	shalt  }
0x63: {  	_ =	shalt  }
0x64: {  	_ =	shalt  }
0x65: {  	_ =	shalt  }
0x66: {  	_ =	shalt  }
0x67: {  	_ =	shalt  }
0x68: {  	_ =	shalt  }
0x69: {  	_ =	shalt  }
0x6a: {  	_ =	shalt  }
0x6b: {  	_ =	shalt  }
0x6c: {  	_ =	shalt  }
0x6d: {  	_ =	shalt  }
0x6e: {  	_ =	shalt  }
0x6f: {  	_ =	shalt  }
0x70: {  	_ =	shalt  }
0x71: {  	_ =	shalt  }
0x72: {  	_ =	shalt  }
0x73: {  	_ =	shalt  }
0x74: {  	_ =	shalt  }
0x75: {  	_ =	shalt  }
0x76: {  	_ =	shalt  }
0x77: {  	_ =	shalt  }
0x78: {  	_ =	shalt  }
0x79: {  	_ =	shalt  }
0x7a: {  	_ =	shalt  }
0x7b: {  	_ =	shalt  }
0x7c: {  	_ =	shalt  }
0x7d: {  	_ =	shalt  }
0x7e: {  	_ =	shalt  }
0x7f: {  	_ =	shalt  }
0x80: {  	_ =	shalt  }
0x81: {  	_ =	shalt  }
0x82: {  	_ =	shalt  }
0x83: {  	_ =	shalt  }
0x84: {  	_ =	shalt  }
0x85: {  	_ =	shalt  }
0x86: {  	_ =	shalt  }
0x87: {  	_ =	shalt  }
.Lfunc_end0:
.L_simem_size_0:
called_computation.1_lowered:
.L_overlay_start_0:
0x88: {  	s2 =	sld [smem:$0x3FD9]  }
0x89: {  	s3 =	sld [smem:$0x3FFE];
	_ =	sdelay $0x1  }
0x8a: {  	s1 =	srdreg.scid  }
0x8b: {  	s0 =	sand.u32 $0x1, s1  }
0x8c: {  	s16 =	sshll.u32 s0, $0xA;
	s2 =	sadd.s32 s3, s2  }
0x8d: {  	s2 =	sadd.s32 s2, s16  }
0x8e: {  	[smem:$0x3FC4] =	sst s2  }
0x8f: {  	_ = 	snop  }
0x90: {  	(tm) =	ssettm $0x1  }
0x91: {  	s17 =	sld [smem:$0x3FFB];
	_ =	sdelay $0x3  }
0x92: {  	_ =	strace s17  }
0x93: {  	s2 =	sld [smem:$0x3FFC];
	_ =	sdelay $0x3  }
0x94: {  	_ =	strace s2  }
0x95: {  	s2 =	sld [smem:$0x3FFD];
	_ =	sdelay $0x3  }
0x96: {  	_ =	strace s2  }
0x97: {  	_ =	strace $0x8FFFFFFF  }
0x98: {  	s18 =	sld [smem:$0x3FDB];
	_ =	sdelay $0x1  }
0x99: {  	s19 =	simm.s32 $_scs_section_size  }
0x9a: {  	s4 =	simm.s32 $_size__tile_overlayer_lowered;
	s5 =	simm.s32 $_tile_overlayer_lowered  }
0x9b: {  	s22 =	simm.s32 $0x1BFF;
	s21 =	sshll.u32 s5, $0x1;
	s2 =	sadd.s32 s19, s18  }
0x9c: {  	s6 =	simm.s32 $0x0;
	s20 =	sshll.u32 s4, $0x1;
	s4 =	sadd.s32 s21, s2  }
0x9d: {  	[timem:s6], [sflag:s22] =	dma.local [hbm:s4], s20  }
0x9e: {  	_ =	swait.ge [sflag:s22], s20  }
0x9f: {  	s3 =	ssub.s32 $0x0, s20;
	[sflag:s22] =	ssyncset.done $0x0  }
0xa0: {  	[sflag:s22] =	ssyncadd.s32 s3;
	_ =	sdelay $0x1  }
0xa1: {  	s23 =	simm.s32 $0x1B8B  }
0xa2: {  	_ =	swait.ge [sflag:s23], $0x1  }
0xa3: {  	[sflag:s23] =	ssyncset.done $0x0  }
0xa4: {  	s25 =	simm.s32 $0x1B8E;
	s24 =	sld [smem:$0x3FFE];
	[sflag:s23] =	ssyncadd.s32 $0xFFFFFFFF  }
0xa5: {  	s26 =	simm.s32 $execute0_lowered;
	[smem:$0x3FD2] =	sst s25  }
0xa6: {  	s4 =	sshll.u32 s26, $0x1;
	_ =	strace $0x80000049;
	[dreg:$0x1] =	wrdreg $0xFFFFFFFF  }
0xa7: {  	s28 =	simm.s32 $_size_execute0_lowered;
	s2 =	sadd.s32 s2, s4;
	[dreg:$0x0] =	wrdreg $0x0  }
0xa8: {  	s4 =	sshll.u32 s28, $0x1;
	[dreg:$0x2] =	wrdreg s2  }
0xa9: {  	[dreg:$0x3] =	wrdreg s4  }
0xaa: {  	[dreg:$0x4] =	wrdreg $0xC0  }
0xab: {  	_ =	task [dreg:s6], $0x5FFFF  }
0xac: {  	[dreg:$0x1] =	wrdreg $0xFFFFFFFF  }
0xad: {  	[dreg:$0x0] =	wrdreg $0x60  }
0xae: {  	[dreg:$0x2] =	wrdreg s24  }
0xaf: {  	[dreg:$0x3] =	wrdreg $0x1C000  }
0xb0: {  	[dreg:$0x4] =	wrdreg $0x154800  }
0xb1: {  	[dreg:$0x5] =	wrdreg $0x9  }
0xb2: {  	_ =	task.clear_ibuf [dreg:s6], $0x6FFFF;
	_ =	strace $0x90000049  }
0xb3: {  	s29 =	simm.s32 $0x9;
	_ =	strace $0x8000004B  }
0xb4: {  	_ =	swait.ge [sflag:s29], $0x1  }
0xb5: {  	[sflag:s29] =	ssyncadd.s32 $0xFFFFFFFF  }
0xb6: {  	_ =	strace $0x9000004B  }
0xb7: {  	_ =	sfence  }
0xb8: {  	s30 =	sld [smem:$0x0];
	_ =	sdelay $0x2  }
0xb9: {  	s31 =	sshll.u32 s1, $0xD;
	s1 =	sshrl.u32 s1, $0x2  }
0xba: {  	s3 =	sand.u32 $0x4000, s31;
	s1 =	sadd.s32 s1, s30  }
0xbb: {  	s0 =	sor.u32 s3, s0;
	s1 =	sshll.u32 s1, $0x11  }
0xbc: {  	s0 =	sor.u32 s1, s0  }
0xbd: {  	s0 =	sadd.s32 $0x8F2B, s0  }
0xbe: {  	[sflag:s0] =	ssyncadd.remote.s32 $0x1  }
0xbf: {  	_ =	sfence.sel $0xFFFF  }
0xc0: {  	[dreg:$0x0] =	wrdreg $0xFFFFFFFF;
	(pc) =	sbr.abs _section_cstart, $3  }
0xc1: {  	[dreg:$0x1] =	wrdreg $0xFFFFFFFF  }
0xc2: {  	_ =	task.clear_ibuf [dreg:s6], $0x2FFFF;
	_ =	strace $0x9FFFFFFF  }
0xc3: {  	(tm) =	ssettm $0x7FFFFFFF  }
tec
execute0_lowered:
.L_overlay_start_1:
0x0: {  	(tag) =	ssettag $0x1  }
0x1: {  	s0 =	rddreg [dreg:$0x0]  }
0x2: {  	s2 =	rddreg [dreg:$0x1]  }
0x3: {  	s3 =	rddreg [dreg:$0x2]  }
0x4: {  	s13 =	stileid.u32;
	s5 =	srdreg.scid  }
0x5: {  	s4 =	simm.s32 $0x0;
	s14 =	simm.s32 $0x2;
	s1 =	smul.u32 $0x2780, s13  }
0x6: {  	s17 =	simm.s32 $0x400;
	s28 =	simm.s32 $0x980;
	s6 =	smul.u32 $0x2800, s13  }
0x7: {  	s29 =	simm.s32 $0x200;
	s30 =	simm.s32 $0xA00;
	s8 =	smul.u32 $0xA400, s13  }
0x8: {  	s31 =	simm.s32 $0x280;
	s5 =	sand.u32 $0x1, s5;
	s21 =	smul.u32 $0x29000, s13  }
0x9: {  	[smem:$0x7FF] =	sst s4;
	s18 =	sadd.s32 $0xC9400, s0;
	s11 =	smul.u32 $0x4F000, s13  }
0xa: {  	s23 =	sshll.u32 s13, $0x6;
	p0 =	seq.s32 s13, $0xF;
	s7 =	smul.u32 $0xA4000, s5  }
0xb: {  	_ =	strace $0x8000004A;
	[dreg:$0x4] =	wrdreg s18;
	s20 =	ssub.s32 $0x2, s5  }
0xc: {  	s15 =	smul.u32 $0x1400, s5;
	s18 =	simm.s32 $0x20;
	s5 =	simm.s32 $0xB00  }
0xd: {  	s1 =	sadd.s32 s1, s0;
	s9 =	sadd.s32 s6, s0;
	s10 =	sshrl.u32 s20, $0x1  }
0xe: {  	s22 =	sshrl.u32 s21, $0x2;
	s24 =	sshrl.u32 s11, $0x2;
	s21 =	simm.s32 $0x800  }
0xf: {  	s19 =	sadd.s32 s8, s7;
	s7 =	ssub.s32 s20, s10;
	s8 =	sadd.s32 s22, s3  }
0x10: {  	s10 =	sadd.s32 s24, s2;
	s1 =	sadd.s32 $0x1400, s1;
	s16 =	sadd.s32 $0x1400, s15  }
0x11: {  	s11 =	sadd.s32 $0x79400, s9;
	s20 =	simm.s32 $0x1;
	s22 =	simm.s32 $0x80  }
0x12: {  	s24 =	simm.s32 $0x100;
	s6 =	sshrl.u32 s19, $0x3;
	[dreg:$0x5] =	wrdreg s1  }
0x13: {  	s1 =	sadd.s32 $0x128400, s2;
	s26 =	smax.u32 s7, $0x1;
	s13 =	sshrl.u32 s8, $0x3  }
0x14: {  	s19 =	simm.s32 $0xC00;
	s7 =	simm.s32 $0x380;
	s8 =	simm.s32 $0xB80  }
0x15: {  	s12 =	sadd.s32 s6, s0;
	s6 =	sor.u32 $0x1C02, s23;
	s0 =	sadd.s32 $0x26480, s0  }
0x16: {  	[dreg:$0x8] =	wrdreg s26;
	s23 =	simm.s32 $0x880;
	s26 =	simm.s32 $0x180  }
0x17: {  	[dreg:$0x6] =	wrdreg s0;
	s25 =	sadd.s32 $0xF1400, s12;
	s12 =	sadd.s32 $0xA1400, s9  }
0x18: {  	s0 =	sshrl.u32 @p0 s1, $0x3;
	s1 =	simm.s32 $0x300;
	[dreg:$0x7] =	wrdreg s25  }
0x19: {  	s9 =	simm.s32 $0x0;
	[dreg:$0x9] =	wrdreg s0;
	s0 =	sshrl.u32 @!p0 s10, $0x3  }
0x1a: {  	v0 =	vmov s15;
	v1 =	vmov s16;
	s25 =	simm.s32 $0x900;
	[dreg:$0xa] =	wrdreg s0;
	s0 =	simm.s32 $0xA80  }
.LBB2_1:
0x1b: {  	s10 =	rddreg [dreg:$0x4]  }
0x1c: {  	[spmem:s13], [sflag:s6] =	dma.local [hbm:s10], $0x1480  }
0x1d: {  	_ =	swait.ge [sflag:s14], $0x1480  }
0x1e: {  	[sflag:s14] =	ssyncset.done $0x0;
	s10 =	rddreg [dreg:$0x6]  }
0x1f: {  	s15 =	rddreg [dreg:$0x9];
	[sflag:s14] =	ssyncadd.s32 $0xFFFFEB80  }
0x20: {  	[spmem:s15], [sflag:s6] =	dma.local @p0 [hbm:s10], $0x2080  }
0x21: {  	s10 =	simm.s32 @p0 $0x2  }
0x22: {  	_ =	swait.ge @p0 [sflag:s10], $0x2080  }
0x23: {  	[sflag:s10] =	ssyncset.done @p0 $0x0;
	s15 =	rddreg [dreg:$0xa]  }
0x24: {  	[sflag:s10] =	ssyncadd.s32 @p0 $0xFFFFDF80;
	s10 =	rddreg [dreg:$0x5]  }
0x25: {  	[spmem:s15], [sflag:s6] =	dma.local @!p0 [hbm:s10], $0x2780  }
0x26: {  	s10 =	simm.s32 @!p0 $0x2  }
0x27: {  	_ =	swait.ge @!p0 [sflag:s10], $0x2780  }
0x28: {  	[sflag:s10] =	ssyncset.done @!p0 $0x0  }
0x29: {  	[sflag:s10] =	ssyncadd.s32 @!p0 $0xFFFFD880  }
0x2a: {  	s15 =	sadd.s32 $0x0, s12;
	[bflag:$0x0] =	sbarrier.arrive $0xFFFF  }
0x2b: {  	[tilespmem:s4], [sflag:$0x2] =	stream.linear.gather [hbm4b:s15+s4], $0x400, $0x38;
	[tilespmem:$0x1F880] =	vst v63  }
0x2c: {  	_ =	swait.ge [sflag:s14], $0x400  }
0x2d: {  	[sflag:s14] =	ssyncset.done $0x0  }
0x2e: {  	s16 =	sadd.s32 $0x0, s11;
	[sflag:s14] =	ssyncadd.s32 $0xFFFFFC00  }
0x2f: {  	[tilespmem:s17], [sflag:$0x2] =	stream.linear.gather [hbm4b:s16+s4], $0x400, $0x38;
	[tilespmem:$0x1F880] =	vst v63  }
0x30: {  	_ =	swait.ge [sflag:s14], $0x400  }
0x31: {  	[sflag:s14] =	ssyncset.done $0x0  }
0x32: {  	[sflag:s14] =	ssyncadd.s32 $0xFFFFFC00  }
0x33: {  	v2 =	vld [tilespmem:$0x710]  }
0x34: {  	v3 =	vld [tilespmem:$0x600]  }
0x35: {  	v4 =	vld [tilespmem:$0x590]  }
0x36: {  	v5 =	vld [tilespmem:$0x510]  }
0x37: {  	v6 =	vld [tilespmem:$0x780]  }
0x38: {  	v7 =	vld [tilespmem:$0x690]  }
0x39: {  	v9 =	vld [tilespmem:$0x700]  }
0x3a: {  	v10 =	vld [tilespmem:$0x400];
	v8 =	vsub.s32 v3, v0  }
0x3b: {  	v13 =	vld [tilespmem:$0x500];
	vm4 =	vge.s32 v4, v0;
	vm7 =	vlt.s32 v4, v1;
	v4 =	vsub.s32 v4, v0  }
0x3c: {  	v11 =	vld [tilespmem:$0x480];
	vm1 =	vge.s32 v5, v0;
	vm0 =	vge.s32 v3, v0;
	vm2 =	vlt.s32 v3, v1  }
0x3d: {  	v14 =	vld [tilespmem:$0x490];
	vm3 =	vge.s32 v2, v0;
	v12 =	vsub.s32 v2, v0;
	vm6 =	vge.s32 v6, v0  }
0x3e: {  	v16 =	vld [tilespmem:$0x790];
	vm5 =	vlt.s32 v5, v1;
	vm8 =	vlt.s32 v7, v1;
	vm12 =	vlt.s32 v9, v1  }
0x3f: {  	v17 =	vld [tilespmem:$0x580];
	v5 =	vsub.s32 v5, v0;
	v15 =	vsub.s32 v10, v0;
	vm9 =	vlt.s32 v6, v1  }
0x40: {  	v18 =	vld [tilespmem:$0x410];
	v6 =	vsub.s32 v6, v0;
	vm13 =	vge.s32 v13, v0;
	vm10 =	vlt.s32 v13, v1  }
0x41: {  	v13 =	vsub.s32 v13, v0;
	vm15 =	vge.s32 v9, v0;
	v57 =	vsub.s32 v9, v0  }
0x42: {  	v58 =	vsub.s32 v7, v0;
	v60 =	vsub.s32 v11, v0;
	v62 =	vsub.s32 v14, v0  }
0x43: {  	vm2 =	vmand vm0, vm2;
	vm0 =	vlt.s32 v2, v1;
	vm6 =	vmand vm6, vm9  }
0x44: {  	vm9 =	vmand vm13, vm10;
	vm11 =	vmand vm4, vm7;
	vm7 =	vge.s32 v16, v0  }
0x45: {  	vm4 =	vlt.s32 v18, v1;
	vm10 =	vge.s32 v17, v0;
	vm12 =	vmand vm15, vm12  }
0x46: {  	vm14 =	vmand vm3, vm0;
	vm0 =	vge.s32 v10, v0;
	v6 =	vnsel vm6, $0x1407, v6  }
0x47: {  	v3 =	vld [tilespmem:$0x680];
	vm3 =	vmand vm1, vm5;
	vm5 =	vge.s32 v11, v0;
	v13 =	vnsel vm9, $0x1407, v13;
	[tilespmem:$0xB80] =	vst v6  }
0x48: {  	v8 =	vnsel vm2, $0x1407, v8;
	vm6 =	vlt.s32 v14, v1;
	vm9 =	vge.s32 v14, v0;
	[tilespmem:$0x900] =	vst v13  }
0x49: {  	v2 =	vld [tilespmem:$0x610];
	vm2 =	vlt.s32 v17, v1;
	v4 =	vnsel vm11, $0x1407, v4;
	vm11 =	vge.s32 v18, v0;
	[tilespmem:$0xA00] =	vst v8  }
0x4a: {  	v5 =	vnsel vm3, $0x1407, v5;
	v56 =	vnsel vm14, $0x1407, v12;
	vm14 =	vge.s32 v7, v0;
	[tilespmem:$0x990] =	vst v4  }
0x4b: {  	v6 =	vnsel vm12, $0x1407, v57;
	vm12 =	vlt.s32 v10, v1;
	[tilespmem:$0x910] =	vst v5;
	vm8 =	vmand vm14, vm8  }
0x4c: {  	[tilespmem:$0xB10] =	vst v56;
	vm14 =	vlt.s32 v11, v1;
	vm0 =	vmand vm0, vm12;
	vm1 =	vge.s32 v3, v0  }
0x4d: {  	[tilespmem:$0xB00] =	vst v6;
	v59 =	vnsel vm8, $0x1407, v58;
	vm5 =	vmand vm5, vm14;
	v61 =	vnsel vm0, $0x1407, v15  }
0x4e: {  	vm14 =	vlt.s32 v3, v1;
	v3 =	vsub.s32 v3, v0;
	vm13 =	vlt.s32 v2, v1;
	[tilespmem:$0xA90] =	vst v59  }
0x4f: {  	v5 =	vnsel vm5, $0x1407, v60;
	vm15 =	vge.s32 v2, v0;
	vm0 =	vmand vm1, vm14;
	[tilespmem:$0x800] =	vst v61  }
0x50: {  	v2 =	vsub.s32 v2, v0;
	[tilespmem:$0x880] =	vst v5;
	vm8 =	vmand vm15, vm13;
	v3 =	vnsel vm0, $0x1407, v3  }
0x51: {  	vm3 =	vlt.s32 v16, v1;
	vm12 =	vmand vm9, vm6;
	v2 =	vnsel vm8, $0x1407, v2;
	[tilespmem:$0xA80] =	vst v3  }
0x52: {  	vm13 =	vmand vm7, vm3;
	v3 =	vnsel vm12, $0x1407, v62;
	[tilespmem:$0xA10] =	vst v2;
	v2 =	vsub.s32 v16, v0  }
0x53: {  	vm14 =	vmand vm10, vm2;
	[tilespmem:$0x890] =	vst v3;
	v3 =	vsub.s32 v17, v0;
	v2 =	vnsel vm13, $0x1407, v2  }
0x54: {  	v63 =	vsub.s32 v18, v0;
	vm15 =	vmand vm11, vm4;
	v3 =	vnsel vm14, $0x1407, v3;
	[tilespmem:$0xB90] =	vst v2  }
0x55: {  	v2 =	vnsel vm15, $0x1407, v63;
	[tilespmem:$0x980] =	vst v3  }
0x56: {  	s10 =	simm.s32 $0x80;
	[tilespmem:$0x810] =	vst v2  }
.LBB2_2:
0x57: {  	[tilespmem:s19], [sflag:$0x1] =	stream.indirect.gather [spmem:s2], $0x80, s4, s18, $0xb8;
	[tilespmem:$0x1F880] =	vst v63  }
0x58: {  	s15 =	smov.u32 s10  }
0x59: {  	p1 =	sne.s32 s10, $0x2780;
	s10 =	sadd.s32 $0x80, s10;
	_ =	swait.ge [sflag:s20], $0x1000  }
0x5a: {  	[sflag:s20] =	ssyncset.done $0x0  }
0x5b: {  	[sflag:s20] =	ssyncadd.s32 $0xFFFFF000  }
0x5c: {  	[spmem:s3] =	stream.indirect.scatter.add.f32 [tilespmem:s19], [sflag:$0x2], $0x80, s21, s18, $0xb8;
	[tilespmem:$0x1F880] =	vst v63  }
0x5d: {  	_ =	swait.ge [sflag:s14], $0x1000  }
0x5e: {  	[sflag:s14] =	ssyncset.done $0x0  }
0x5f: {  	[sflag:s14] =	ssyncadd.s32 $0xFFFFF000  }
0x60: {  	[tilespmem:s19], [sflag:$0x1] =	stream.indirect.gather [spmem:s2], $0x80, s22, s18, $0xb8;
	[tilespmem:$0x1F880] =	vst v63  }
0x61: {  	_ =	swait.ge [sflag:s20], $0x1000  }
0x62: {  	[sflag:s20] =	ssyncset.done $0x0  }
0x63: {  	[sflag:s20] =	ssyncadd.s32 $0xFFFFF000  }
0x64: {  	[spmem:s3] =	stream.indirect.scatter.add.f32 [tilespmem:s19], [sflag:$0x2], $0x80, s23, s18, $0xb8;
	[tilespmem:$0x1F880] =	vst v63  }
0x65: {  	_ =	swait.ge [sflag:s14], $0x1000  }
0x66: {  	[sflag:s14] =	ssyncset.done $0x0  }
0x67: {  	[sflag:s14] =	ssyncadd.s32 $0xFFFFF000  }
0x68: {  	[tilespmem:s19], [sflag:$0x1] =	stream.indirect.gather [spmem:s2], $0x80, s24, s18, $0xb8;
	[tilespmem:$0x1F880] =	vst v63  }
0x69: {  	_ =	swait.ge [sflag:s20], $0x1000  }
0x6a: {  	[sflag:s20] =	ssyncset.done $0x0  }
0x6b: {  	[sflag:s20] =	ssyncadd.s32 $0xFFFFF000  }
0x6c: {  	[spmem:s3] =	stream.indirect.scatter.add.f32 [tilespmem:s19], [sflag:$0x2], $0x80, s25, s18, $0xb8;
	[tilespmem:$0x1F880] =	vst v63  }
0x6d: {  	_ =	swait.ge [sflag:s14], $0x1000  }
0x6e: {  	[sflag:s14] =	ssyncset.done $0x0  }
0x6f: {  	[sflag:s14] =	ssyncadd.s32 $0xFFFFF000  }
0x70: {  	[tilespmem:s19], [sflag:$0x1] =	stream.indirect.gather [spmem:s2], $0x80, s26, s18, $0xb8;
	[tilespmem:$0x1F880] =	vst v63  }
0x71: {  	_ =	swait.ge [sflag:s20], $0x1000  }
0x72: {  	[sflag:s20] =	ssyncset.done $0x0  }
0x73: {  	[sflag:s20] =	ssyncadd.s32 $0xFFFFF000  }
0x74: {  	[spmem:s3] =	stream.indirect.scatter.add.f32 [tilespmem:s19], [sflag:$0x2], $0x80, s28, s18, $0xb8;
	[tilespmem:$0x1F880] =	vst v63  }
0x75: {  	_ =	swait.ge [sflag:s14], $0x1000  }
0x76: {  	[sflag:s14] =	ssyncset.done $0x0  }
0x77: {  	[sflag:s14] =	ssyncadd.s32 $0xFFFFF000  }
0x78: {  	[tilespmem:s19], [sflag:$0x1] =	stream.indirect.gather [spmem:s2], $0x80, s29, s18, $0xb8;
	[tilespmem:$0x1F880] =	vst v63  }
0x79: {  	_ =	swait.ge [sflag:s20], $0x1000  }
0x7a: {  	[sflag:s20] =	ssyncset.done $0x0  }
0x7b: {  	[sflag:s20] =	ssyncadd.s32 $0xFFFFF000  }
0x7c: {  	[spmem:s3] =	stream.indirect.scatter.add.f32 [tilespmem:s19], [sflag:$0x2], $0x80, s30, s18, $0xb8;
	[tilespmem:$0x1F880] =	vst v63  }
0x7d: {  	_ =	swait.ge [sflag:s14], $0x1000  }
0x7e: {  	[sflag:s14] =	ssyncset.done $0x0  }
0x7f: {  	[sflag:s14] =	ssyncadd.s32 $0xFFFFF000  }
0x80: {  	[tilespmem:s19], [sflag:$0x1] =	stream.indirect.gather [spmem:s2], $0x80, s31, s18, $0xb8;
	[tilespmem:$0x1F880] =	vst v63  }
0x81: {  	_ =	swait.ge [sflag:s20], $0x1000  }
0x82: {  	[sflag:s20] =	ssyncset.done $0x0  }
0x83: {  	[sflag:s20] =	ssyncadd.s32 $0xFFFFF000  }
0x84: {  	[spmem:s3] =	stream.indirect.scatter.add.f32 [tilespmem:s19], [sflag:$0x2], $0x80, s0, s18, $0xb8;
	[tilespmem:$0x1F880] =	vst v63  }
0x85: {  	_ =	swait.ge [sflag:s14], $0x1000  }
0x86: {  	[sflag:s14] =	ssyncset.done $0x0  }
0x87: {  	[sflag:s14] =	ssyncadd.s32 $0xFFFFF000  }
0x88: {  	[tilespmem:s19], [sflag:$0x1] =	stream.indirect.gather [spmem:s2], $0x80, s1, s18, $0xb8;
	[tilespmem:$0x1F880] =	vst v63  }
0x89: {  	_ =	swait.ge [sflag:s20], $0x1000  }
0x8a: {  	[sflag:s20] =	ssyncset.done $0x0  }
0x8b: {  	[sflag:s20] =	ssyncadd.s32 $0xFFFFF000  }
0x8c: {  	[spmem:s3] =	stream.indirect.scatter.add.f32 [tilespmem:s19], [sflag:$0x2], $0x80, s5, s18, $0xb8;
	[tilespmem:$0x1F880] =	vst v63  }
0x8d: {  	_ =	swait.ge [sflag:s14], $0x1000  }
0x8e: {  	[sflag:s14] =	ssyncset.done $0x0  }
0x8f: {  	[sflag:s14] =	ssyncadd.s32 $0xFFFFF000  }
0x90: {  	[tilespmem:s19], [sflag:$0x1] =	stream.indirect.gather [spmem:s2], $0x80, s7, s18, $0xb8;
	[tilespmem:$0x1F880] =	vst v63  }
0x91: {  	_ =	swait.ge [sflag:s20], $0x1000  }
0x92: {  	[sflag:s20] =	ssyncset.done $0x0  }
0x93: {  	[sflag:s20] =	ssyncadd.s32 $0xFFFFF000  }
0x94: {  	[spmem:s3] =	stream.indirect.scatter.add.f32 [tilespmem:s19], [sflag:$0x2], $0x80, s8, s18, $0xb8;
	[tilespmem:$0x1F880] =	vst v63  }
0x95: {  	_ =	swait.ge [sflag:s14], $0x1000  }
0x96: {  	[sflag:s14] =	ssyncset.done $0x0  }
0x97: {  	s16 =	sadd.s32 s15, s12;
	[sflag:s14] =	ssyncadd.s32 $0xFFFFF000  }
0x98: {  	[tilespmem:s4], [sflag:$0x2] =	stream.linear.gather [hbm4b:s16+s4], $0x400, $0x38;
	[tilespmem:$0x1F880] =	vst v63  }
0x99: {  	_ =	swait.ge [sflag:s14], $0x400  }
0x9a: {  	[sflag:s14] =	ssyncset.done $0x0  }
0x9b: {  	s15 =	sadd.s32 s15, s11;
	[sflag:s14] =	ssyncadd.s32 $0xFFFFFC00  }
0x9c: {  	[tilespmem:s17], [sflag:$0x2] =	stream.linear.gather [hbm4b:s15+s4], $0x400, $0x38;
	[tilespmem:$0x1F880] =	vst v63  }
0x9d: {  	_ =	swait.ge [sflag:s14], $0x400  }
0x9e: {  	[sflag:s14] =	ssyncset.done $0x0  }
0x9f: {  	[sflag:s14] =	ssyncadd.s32 $0xFFFFFC00  }
0xa0: {  	v2 =	vld [tilespmem:$0x710]  }
0xa1: {  	v3 =	vld [tilespmem:$0x600]  }
0xa2: {  	v4 =	vld [tilespmem:$0x590]  }
0xa3: {  	v5 =	vld [tilespmem:$0x510]  }
0xa4: {  	v6 =	vld [tilespmem:$0x780]  }
0xa5: {  	v7 =	vld [tilespmem:$0x690]  }
0xa6: {  	v8 =	vsub.s32 v3, v0;
	v9 =	vld [tilespmem:$0x700]  }
0xa7: {  	v10 =	vld [tilespmem:$0x400];
	vm2 =	vge.s32 v4, v0;
	vm6 =	vlt.s32 v4, v1;
	v4 =	vsub.s32 v4, v0  }
0xa8: {  	vm0 =	vge.s32 v3, v0;
	vm3 =	vlt.s32 v3, v1;
	v11 =	vld [tilespmem:$0x480];
	vm1 =	vge.s32 v5, v0  }
0xa9: {  	vm4 =	vge.s32 v2, v0;
	v12 =	vsub.s32 v2, v0;
	v3 =	vld [tilespmem:$0x680];
	vm5 =	vge.s32 v6, v0  }
0xaa: {  	vm3 =	vmand vm0, vm3;
	vm0 =	vlt.s32 v2, v1;
	vm8 =	vlt.s32 v5, v1;
	v13 =	vld [tilespmem:$0x500]  }
0xab: {  	vm14 =	vmand vm4, vm0;
	vm7 =	vlt.s32 v7, v1;
	v2 =	vld [tilespmem:$0x610];
	vm13 =	vlt.s32 v9, v1  }
0xac: {  	v5 =	vsub.s32 v5, v0;
	vm8 =	vmand vm1, vm8;
	vm0 =	vge.s32 v10, v0;
	v14 =	vld [tilespmem:$0x490]  }
0xad: {  	vm9 =	vlt.s32 v6, v1;
	v15 =	vsub.s32 v10, v0;
	vm4 =	vge.s32 v11, v0;
	v16 =	vld [tilespmem:$0x790]  }
0xae: {  	v6 =	vsub.s32 v6, v0;
	vm5 =	vmand vm5, vm9;
	v17 =	vld [tilespmem:$0x580];
	vm1 =	vge.s32 v3, v0  }
0xaf: {  	v6 =	vnsel vm5, $0x1407, v6;
	v18 =	vld [tilespmem:$0x410];
	vm9 =	vge.s32 v13, v0;
	vm10 =	vlt.s32 v13, v1  }
0xb0: {  	v8 =	vnsel vm3, $0x1407, v8;
	v13 =	vsub.s32 v13, v0;
	vm9 =	vmand vm9, vm10  }
0xb1: {  	vm12 =	vlt.s32 v2, v1;
	vm5 =	vlt.s32 v14, v1;
	v13 =	vnsel vm9, $0x1407, v13  }
0xb2: {  	v5 =	vnsel vm8, $0x1407, v5;
	vm9 =	vge.s32 v14, v0;
	[tilespmem:$0xB80] =	vst v6;
	vm8 =	vlt.s32 v16, v1  }
0xb3: {  	vm6 =	vmand vm2, vm6;
	vm11 =	vge.s32 v16, v0;
	[tilespmem:$0x910] =	vst v5;
	vm3 =	vlt.s32 v17, v1  }
0xb4: {  	v4 =	vnsel vm6, $0x1407, v4;
	vm10 =	vge.s32 v17, v0;
	vm2 =	vlt.s32 v18, v1;
	[tilespmem:$0x900] =	vst v13  }
0xb5: {  	vm15 =	vge.s32 v9, v0;
	v5 =	vnsel vm14, $0x1407, v12;
	vm6 =	vge.s32 v18, v0;
	[tilespmem:$0xA00] =	vst v8  }
0xb6: {  	vm13 =	vmand vm15, vm13;
	v6 =	vsub.s32 v9, v0;
	vm14 =	vge.s32 v7, v0;
	[tilespmem:$0xB10] =	vst v5  }
0xb7: {  	vm7 =	vmand vm14, vm7;
	v5 =	vnsel vm13, $0x1407, v6;
	[tilespmem:$0x990] =	vst v4;
	v4 =	vsub.s32 v7, v0  }
0xb8: {  	vm14 =	vlt.s32 v11, v1;
	vm13 =	vlt.s32 v10, v1;
	v4 =	vnsel vm7, $0x1407, v4;
	[tilespmem:$0xB00] =	vst v5  }
0xb9: {  	vm4 =	vmand vm4, vm14;
	vm0 =	vmand vm0, vm13;
	v5 =	vsub.s32 v11, v0  }
0xba: {  	v6 =	vnsel vm0, $0x1407, v15;
	vm0 =	vlt.s32 v3, v1;
	v5 =	vnsel vm4, $0x1407, v5;
	[tilespmem:$0xA90] =	vst v4  }
0xbb: {  	v3 =	vsub.s32 v3, v0;
	vm4 =	vge.s32 v2, v0;
	vm0 =	vmand vm1, vm0;
	[tilespmem:$0x880] =	vst v5  }
0xbc: {  	v2 =	vsub.s32 v2, v0;
	vm1 =	vmand vm4, vm12;
	v3 =	vnsel vm0, $0x1407, v3;
	[tilespmem:$0x800] =	vst v6  }
0xbd: {  	vm0 =	vmand vm9, vm5;
	v4 =	vsub.s32 v14, v0;
	v2 =	vnsel vm1, $0x1407, v2;
	[tilespmem:$0xA80] =	vst v3  }
.Ltmp0:
0xbe: {  	v3 =	vnsel vm0, $0x1407, v4;
	vm0 =	vmand vm11, vm8;
	[tilespmem:$0xA10] =	vst v2;
	v2 =	vsub.s32 v16, v0;
	(pc) =	sbr.rel @p1 .LBB2_2-.Ltmp0, $4  }
0xbf: {  	vm1 =	vmand vm10, vm3;
	[tilespmem:$0x890] =	vst v3;
	v3 =	vsub.s32 v17, v0;
	v2 =	vnsel vm0, $0x1407, v2  }
0xc0: {  	v4 =	vsub.s32 v18, v0;
	vm0 =	vmand vm6, vm2;
	v3 =	vnsel vm1, $0x1407, v3;
	[tilespmem:$0xB90] =	vst v2  }
0xc1: {  	v2 =	vnsel vm0, $0x1407, v4;
	[tilespmem:$0x980] =	vst v3  }
0xc2: {  	[tilespmem:$0x810] =	vst v2  }
0xc3: {  	[tilespmem:s19], [sflag:$0x1] =	stream.indirect.gather [spmem:s2], $0x80, s4, s18, $0xb8;
	[tilespmem:$0x1F880] =	vst v63  }
0xc4: {  	_ =	swait.ge [sflag:s20], $0x1000  }
0xc5: {  	[sflag:s20] =	ssyncset.done $0x0  }
0xc6: {  	[sflag:s20] =	ssyncadd.s32 $0xFFFFF000  }
0xc7: {  	[spmem:s3] =	stream.indirect.scatter.add.f32 [tilespmem:s19], [sflag:$0x2], $0x80, s21, s18, $0xb8;
	[tilespmem:$0x1F880] =	vst v63  }
0xc8: {  	_ =	swait.ge [sflag:s14], $0x1000  }
0xc9: {  	[sflag:s14] =	ssyncset.done $0x0  }
0xca: {  	[sflag:s14] =	ssyncadd.s32 $0xFFFFF000  }
0xcb: {  	[tilespmem:s19], [sflag:$0x1] =	stream.indirect.gather [spmem:s2], $0x80, s22, s18, $0xb8;
	[tilespmem:$0x1F880] =	vst v63  }
0xcc: {  	_ =	swait.ge [sflag:s20], $0x1000  }
0xcd: {  	[sflag:s20] =	ssyncset.done $0x0  }
0xce: {  	[sflag:s20] =	ssyncadd.s32 $0xFFFFF000  }
0xcf: {  	[spmem:s3] =	stream.indirect.scatter.add.f32 [tilespmem:s19], [sflag:$0x2], $0x80, s23, s18, $0xb8;
	[tilespmem:$0x1F880] =	vst v63  }
0xd0: {  	_ =	swait.ge [sflag:s14], $0x1000  }
0xd1: {  	[sflag:s14] =	ssyncset.done $0x0  }
0xd2: {  	[sflag:s14] =	ssyncadd.s32 $0xFFFFF000  }
0xd3: {  	[tilespmem:s19], [sflag:$0x1] =	stream.indirect.gather [spmem:s2], $0x80, s24, s18, $0xb8;
	[tilespmem:$0x1F880] =	vst v63  }
0xd4: {  	_ =	swait.ge [sflag:s20], $0x1000  }
0xd5: {  	[sflag:s20] =	ssyncset.done $0x0  }
0xd6: {  	[sflag:s20] =	ssyncadd.s32 $0xFFFFF000  }
0xd7: {  	[spmem:s3] =	stream.indirect.scatter.add.f32 [tilespmem:s19], [sflag:$0x2], $0x80, s25, s18, $0xb8;
	[tilespmem:$0x1F880] =	vst v63  }
0xd8: {  	_ =	swait.ge [sflag:s14], $0x1000  }
0xd9: {  	[sflag:s14] =	ssyncset.done $0x0  }
0xda: {  	[sflag:s14] =	ssyncadd.s32 $0xFFFFF000  }
0xdb: {  	[tilespmem:s19], [sflag:$0x1] =	stream.indirect.gather [spmem:s2], $0x80, s26, s18, $0xb8;
	[tilespmem:$0x1F880] =	vst v63  }
0xdc: {  	_ =	swait.ge [sflag:s20], $0x1000  }
0xdd: {  	[sflag:s20] =	ssyncset.done $0x0  }
0xde: {  	[sflag:s20] =	ssyncadd.s32 $0xFFFFF000  }
0xdf: {  	[spmem:s3] =	stream.indirect.scatter.add.f32 [tilespmem:s19], [sflag:$0x2], $0x80, s28, s18, $0xb8;
	[tilespmem:$0x1F880] =	vst v63  }
0xe0: {  	_ =	swait.ge [sflag:s14], $0x1000  }
0xe1: {  	[sflag:s14] =	ssyncset.done $0x0  }
0xe2: {  	[sflag:s14] =	ssyncadd.s32 $0xFFFFF000  }
0xe3: {  	[tilespmem:s19], [sflag:$0x1] =	stream.indirect.gather [spmem:s2], $0x80, s29, s18, $0xb8;
	[tilespmem:$0x1F880] =	vst v63  }
0xe4: {  	_ =	swait.ge [sflag:s20], $0x1000  }
0xe5: {  	[sflag:s20] =	ssyncset.done $0x0  }
0xe6: {  	[sflag:s20] =	ssyncadd.s32 $0xFFFFF000  }
0xe7: {  	[spmem:s3] =	stream.indirect.scatter.add.f32 [tilespmem:s19], [sflag:$0x2], $0x80, s30, s18, $0xb8;
	[tilespmem:$0x1F880] =	vst v63  }
0xe8: {  	_ =	swait.ge [sflag:s14], $0x1000  }
0xe9: {  	[sflag:s14] =	ssyncset.done $0x0  }
0xea: {  	[sflag:s14] =	ssyncadd.s32 $0xFFFFF000  }
0xeb: {  	[tilespmem:s19], [sflag:$0x1] =	stream.indirect.gather [spmem:s2], $0x80, s31, s18, $0xb8;
	[tilespmem:$0x1F880] =	vst v63  }
0xec: {  	_ =	swait.ge [sflag:s20], $0x1000  }
0xed: {  	[sflag:s20] =	ssyncset.done $0x0  }
0xee: {  	[sflag:s20] =	ssyncadd.s32 $0xFFFFF000  }
0xef: {  	[spmem:s3] =	stream.indirect.scatter.add.f32 [tilespmem:s19], [sflag:$0x2], $0x80, s0, s18, $0xb8;
	[tilespmem:$0x1F880] =	vst v63  }
0xf0: {  	_ =	swait.ge [sflag:s14], $0x1000  }
0xf1: {  	[sflag:s14] =	ssyncset.done $0x0  }
0xf2: {  	[sflag:s14] =	ssyncadd.s32 $0xFFFFF000  }
0xf3: {  	[tilespmem:s19], [sflag:$0x1] =	stream.indirect.gather [spmem:s2], $0x80, s1, s18, $0xb8;
	[tilespmem:$0x1F880] =	vst v63  }
0xf4: {  	_ =	swait.ge [sflag:s20], $0x1000  }
0xf5: {  	[sflag:s20] =	ssyncset.done $0x0  }
0xf6: {  	[sflag:s20] =	ssyncadd.s32 $0xFFFFF000  }
0xf7: {  	[spmem:s3] =	stream.indirect.scatter.add.f32 [tilespmem:s19], [sflag:$0x2], $0x80, s5, s18, $0xb8;
	[tilespmem:$0x1F880] =	vst v63  }
0xf8: {  	_ =	swait.ge [sflag:s14], $0x1000  }
0xf9: {  	[sflag:s14] =	ssyncset.done $0x0  }
0xfa: {  	[sflag:s14] =	ssyncadd.s32 $0xFFFFF000  }
0xfb: {  	[tilespmem:s19], [sflag:$0x1] =	stream.indirect.gather [spmem:s2], $0x80, s7, s18, $0xb8;
	[tilespmem:$0x1F880] =	vst v63  }
0xfc: {  	_ =	swait.ge [sflag:s20], $0x1000  }
0xfd: {  	[sflag:s20] =	ssyncset.done $0x0  }
0xfe: {  	[sflag:s20] =	ssyncadd.s32 $0xFFFFF000  }
0xff: {  	[spmem:s3] =	stream.indirect.scatter.add.f32 [tilespmem:s19], [sflag:$0x2], $0x80, s8, s18, $0xb8;
	[tilespmem:$0x1F880] =	vst v63  }
0x100: {  	_ =	swait.ge [sflag:s14], $0x1000  }
0x101: {  	[sflag:s14] =	ssyncset.done $0x0  }
0x102: {  	[sflag:s14] =	ssyncadd.s32 $0xFFFFF000  }
0x103: {  	[bflag:$0x0] =	sbarrier.arrive $0xFFFF  }
0x104: {  	s10 =	rddreg [dreg:$0x7]  }
0x105: {  	[hbm:s10], [sflag:s6] =	dma.local [spmem:s13], $0x1480  }
0x106: {  	_ =	swait.ge [sflag:s14], $0x1480  }
0x107: {  	s9 =	sadd.s32 $0x1, s9;
	s16 =	rddreg [dreg:$0x8]  }
0x108: {  	p1 =	sne.s32 s9, s16  }
.Ltmp1:
0x109: {  	_ = 	snop;
	(pc) =	sbr.rel @p1 .LBB2_1-.Ltmp1, $3  }
0x10a: {  	_ =	sdelay $0x1  }
0x10b: {  	[sflag:s14] =	ssyncset.done $0x0  }
0x10c: {  	[sflag:s14] =	ssyncadd.s32 $0xFFFFEB80  }
0x10d: {  	_ =	sfence.sel $0x180000  }
0x10e: {  	[bflag:$0x0] =	sbarrier.arrive $0xFFFF  }
0x10f: {  	_ =	strace $0x9000004A  }
0x110: {  	s0 =	stileid.u32;
	[bflag:$0x2] =	sbarrier.arrive $0xFFFF  }
0x111: {  	p0 =	sne.s32 s0, $0x0;
	s0 =	rddreg [dreg:$0x3]  }
0x112: {  	s0 =	sadd.s32 @!p0 $0x100000, s0  }
0x113: {  	[sflag:s0] =	ssyncadd.tile.s32 @!p0 $0x1;
	_ =	shalt  }
.Lfunc_end2:
_tile_overlayer_lowered:
.L_overlay_start_2:
0x114: {  	(tag) =	ssettag $0x2  }
0x115: {  	s0 =	rddreg [dreg:$0x0];
	s2 =	stileid.u32  }
0x116: {  	s1 =	rddreg [dreg:$0x1];
	p0 =	sne.s32 s2, $0x0  }
0x117: {  	s3 =	rddreg [dreg:$0x2];
	[bflag:$0x3] =	sbarrier.arrive $0xFFFF;
	s2 =	simm.s32 @!p0 $0x1C02  }
0x118: {  	[timem:s3], [sflag:s2] =	dma.local @!p0 [hbm:s0], s1  }
0x119: {  	s0 =	simm.s32 @!p0 $0x2  }
0x11a: {  	_ =	swait.ge @!p0 [sflag:s0], s1  }
0x11b: {  	s1 =	ssub.s32 @!p0 $0x0, s1;
	[sflag:s0] =	ssyncset.done @!p0 $0x0  }
0x11c: {  	[sflag:s0] =	ssyncadd.s32 @!p0 s1  }
0x11d: {  	[bflag:$0x3] =	sbarrier.arrive $0xFFFF  }
0x11e: {  	_ =	shalt  }

// kernel: kernel.7.cloned.1.call-start
scs
__scs_entry_jumppad:
0x0: {  	(pc) =	sbr.rel $0x88, $3  }
0x1: {  	(tag) =	ssettag $0x0;
	lr =	simm.s32 $0x1  }
0x2: {  	[smem:$0x3F9D] =	sst lr;
	_ =	strace $0xD0000000  }
0x3: {  	_ = 	snop  }
0x4: {  	_ = 	snop  }
0x5: {  	_ = 	snop  }
0x6: {  	_ = 	snop  }
0x7: {  	_ = 	snop  }
__scs_overlays_trampoline_lowered:
0x8: {  	[smem:$0x3FAC] =	sst s0  }
0x9: {  	[smem:$0x3FAD] =	sst s1  }
0xa: {  	[smem:$0x3FAE] =	sst s2  }
0xb: {  	[smem:$0x3FAF] =	sst s3  }
0xc: {  	[smem:$0x3FB0] =	sst s4  }
0xd: {  	[smem:$0x3FB1] =	sst s5  }
0xe: {  	[smem:$0x3FB2] =	sst s6  }
0xf: {  	[smem:$0x3FB3] =	sst s7  }
0x10: {  	[smem:$0x3FB4] =	sst s8  }
0x11: {  	[smem:$0x3FB5] =	sst s9;
	s0 =	simm.s32 @!p0 $0x0  }
0x12: {  	s1 =	sld [smem:$0x3F9B];
	s0 =	simm.s32 @p0 $0x1  }
0x13: {  	[smem:$0x3FB6] =	sst s0;
	s0 =	simm.s32 @!p1 $0x0  }
0x14: {  	s2 =	sld [smem:$0x3F9A];
	s0 =	simm.s32 @p1 $0x1  }
0x15: {  	[smem:$0x3FB7] =	sst s0;
	s0 =	simm.s32 @!p2 $0x0  }
0x16: {  	s3 =	sld [smem:$0x3FDB];
	s0 =	simm.s32 @p2 $0x1  }
0x17: {  	s4 =	simm.s32 $0x1BF5;
	[smem:$0x3FB9] =	sst s0  }
0x18: {  	s0 =	sld [smem:$0x3F9C];
	_ =	swait.ge [sflag:s4], $0x0  }
0x19: {  	s7 =	sld [smem:$0x3F9D]  }
0x1a: {  	s8 =	sadd.s32 $0xFFFFE003, lr  }
0x1b: {  	s9 =	sadd.s32 $0xFFFFFEF7, lr;
	s5 =	simm.s32 $0xFFFFFFFF;
	p2 =	slt.u32 s8, $0xFFFFF086  }
0x1c: {  	p1 =	slt.u32 s9, $0xF7A;
	s5 =	simm.s32 @!p2 $0x0  }
0x1d: {  	s5 =	simm.s32 @p1 $0x1;
	p0 =	seq.s32 s7, s2  }
0x1e: {  	s7 =	smul.u32 @!p0 $0xF7A, s2;
	p2 =	seq.s32 @!p0 s5, $0x0  }
0x1f: {  	s9 =	smul.u32 $0xF7A, s1;
	s8 =	simm.s32 @!p0 $0x1BF5;
	p2 =	por !p2, p0  }
0x20: {  	[sflag:s8] =	ssyncset.s32 @!p0 $0xFFFFF086;
	s6 =	sadd.s32 @!p0 s3, s7;
	s7 =	simm.s32 @!p0 $0x108  }
0x21: {  	s3 =	sadd.s32 s3, s9;
	s6 =	sadd.s32 @!p0 $0x88, s6;
	s7 =	simm.s32 @p2 $0x1082  }
0x22: {  	[simem:s7], [sflag:s8] =	dma.local @!p0 [hbm:s6], $0xF7A  }
0x23: {  	s9 =	sor.u32 $0xD0000000, s2;
	s6 =	simm.s32 $0x108;
	_ =	swait.ge @!p0 [sflag:s8], $0x0  }
0x24: {  	s3 =	sadd.s32 $0x88, s3;
	s6 =	simm.s32 @!p1 $0x1082;
	[sflag:s4] =	ssyncset.s32 $0xFFFFF086  }
0x25: {  	[simem:s6], [sflag:s4] =	dma.local [hbm:s3], $0xF7A  }
0x26: {  	[smem:$0x3F9D] =	sst s1;
	(tag) =	ssettag s2;
	_ =	strace s9  }
0x27: {  	s1 =	sld [smem:$0x3FAD]  }
0x28: {  	s2 =	sld [smem:$0x3FAE]  }
0x29: {  	s4 =	sld [smem:$0x3FB0]  }
0x2a: {  	p0 =	seq.s32 s5, $0x0;
	s5 =	sld [smem:$0x3FB1]  }
0x2b: {  	s6 =	sld [smem:$0x3FB2]  }
0x2c: {  	s7 =	sld [smem:$0x3FB3]  }
0x2d: {  	s3 =	simm.s32 $0x108;
	s8 =	sld [smem:$0x3FB4]  }
0x2e: {  	s3 =	simm.s32 @!p0 $0x1082;
	s9 =	sld [smem:$0x3FB5]  }
0x2f: {  	lr =	sadd.s32 s0, s3;
	s0 =	sld [smem:$0x3FAC]  }
0x30: {  	s3 =	sld [smem:$0x3FAF]  }
0x31: {  	[smem:$0x3FB8] =	sst s10  }
0x32: {  	s10 =	sld [smem:$0x3FB6];
	_ =	sdelay $0x3  }
0x33: {  	p0 =	seq.s32 s10, $0x1;
	s10 =	sld [smem:$0x3FB8];
	_ =	sdelay $0x3  }
0x34: {  	[smem:$0x3FB8] =	sst s10  }
0x35: {  	s10 =	sld [smem:$0x3FB7];
	_ =	sdelay $0x3  }
0x36: {  	p1 =	seq.s32 s10, $0x1;
	s10 =	sld [smem:$0x3FB8];
	_ =	sdelay $0x3  }
0x37: {  	[smem:$0x3FB8] =	sst s10  }
0x38: {  	s10 =	sld [smem:$0x3FB9]  }
0x39: {  	_ = 	snop;
	(pc) =	sbr.ind lr, $3  }
0x3a: {  	_ = 	snop  }
0x3b: {  	_ = 	snop  }
0x3c: {  	p2 =	seq.s32 s10, $0x1;
	s10 =	sld [smem:$0x3FB8]  }
0x3d: {  	_ =	shalt  }
0x3e: {  	_ =	shalt  }
0x3f: {  	_ =	shalt  }
0x40: {  	_ =	shalt  }
0x41: {  	_ =	shalt  }
0x42: {  	_ =	shalt  }
0x43: {  	_ =	shalt  }
0x44: {  	_ =	shalt  }
0x45: {  	_ =	shalt  }
0x46: {  	_ =	shalt  }
0x47: {  	_ =	shalt  }
0x48: {  	_ =	shalt  }
0x49: {  	_ =	shalt  }
0x4a: {  	_ =	shalt  }
0x4b: {  	_ =	shalt  }
0x4c: {  	_ =	shalt  }
0x4d: {  	_ =	shalt  }
0x4e: {  	_ =	shalt  }
0x4f: {  	_ =	shalt  }
0x50: {  	_ =	shalt  }
0x51: {  	_ =	shalt  }
0x52: {  	_ =	shalt  }
0x53: {  	_ =	shalt  }
0x54: {  	_ =	shalt  }
0x55: {  	_ =	shalt  }
0x56: {  	_ =	shalt  }
0x57: {  	_ =	shalt  }
0x58: {  	_ =	shalt  }
0x59: {  	_ =	shalt  }
0x5a: {  	_ =	shalt  }
0x5b: {  	_ =	shalt  }
0x5c: {  	_ =	shalt  }
0x5d: {  	_ =	shalt  }
0x5e: {  	_ =	shalt  }
0x5f: {  	_ =	shalt  }
0x60: {  	_ =	shalt  }
0x61: {  	_ =	shalt  }
0x62: {  	_ =	shalt  }
0x63: {  	_ =	shalt  }
0x64: {  	_ =	shalt  }
0x65: {  	_ =	shalt  }
0x66: {  	_ =	shalt  }
0x67: {  	_ =	shalt  }
0x68: {  	_ =	shalt  }
0x69: {  	_ =	shalt  }
0x6a: {  	_ =	shalt  }
0x6b: {  	_ =	shalt  }
0x6c: {  	_ =	shalt  }
0x6d: {  	_ =	shalt  }
0x6e: {  	_ =	shalt  }
0x6f: {  	_ =	shalt  }
0x70: {  	_ =	shalt  }
0x71: {  	_ =	shalt  }
0x72: {  	_ =	shalt  }
0x73: {  	_ =	shalt  }
0x74: {  	_ =	shalt  }
0x75: {  	_ =	shalt  }
0x76: {  	_ =	shalt  }
0x77: {  	_ =	shalt  }
0x78: {  	_ =	shalt  }
0x79: {  	_ =	shalt  }
0x7a: {  	_ =	shalt  }
0x7b: {  	_ =	shalt  }
0x7c: {  	_ =	shalt  }
0x7d: {  	_ =	shalt  }
0x7e: {  	_ =	shalt  }
0x7f: {  	_ =	shalt  }
0x80: {  	_ =	shalt  }
0x81: {  	_ =	shalt  }
0x82: {  	_ =	shalt  }
0x83: {  	_ =	shalt  }
0x84: {  	_ =	shalt  }
0x85: {  	_ =	shalt  }
0x86: {  	_ =	shalt  }
0x87: {  	_ =	shalt  }
.Lfunc_end0:
.L_simem_size_0:
called_computation_lowered:
.L_overlay_start_0:
0x88: {  	s2 =	sld [smem:$0x3FD9]  }
0x89: {  	s3 =	sld [smem:$0x3FFE];
	_ =	sdelay $0x1  }
0x8a: {  	s1 =	srdreg.scid  }
0x8b: {  	s0 =	sand.u32 $0x1, s1  }
0x8c: {  	s17 =	sshll.u32 s0, $0xA;
	s2 =	sadd.s32 s3, s2  }
0x8d: {  	s2 =	sadd.s32 s2, s17  }
0x8e: {  	[smem:$0x3FC4] =	sst s2  }
0x8f: {  	_ = 	snop  }
0x90: {  	s2 =	sld [smem:$0x3FD0];
	(tm) =	ssettm $0x1  }
0x91: {  	s18 =	sld [smem:$0x3FFB];
	_ =	sdelay $0x3  }
0x92: {  	_ =	strace s18  }
0x93: {  	s3 =	sld [smem:$0x3FFC];
	_ =	sdelay $0x3  }
0x94: {  	_ =	strace s3  }
0x95: {  	s3 =	sld [smem:$0x3FFD];
	_ =	sdelay $0x3  }
0x96: {  	_ =	strace s3  }
0x97: {  	_ =	strace $0x8FFFFFFF  }
0x98: {  	s19 =	sld [smem:$0x3FDB];
	_ =	sdelay $0x1  }
0x99: {  	s4 =	simm.s32 $_scs_section_size  }
0x9a: {  	s5 =	simm.s32 $_size__tile_overlayer_lowered;
	s6 =	simm.s32 $_tile_overlayer_lowered  }
0x9b: {  	s22 =	simm.s32 $0x1BFF;
	s21 =	sshll.u32 s6, $0x1;
	s3 =	sadd.s32 s4, s19  }
0x9c: {  	s7 =	simm.s32 $0x0;
	s20 =	sshll.u32 s5, $0x1;
	s5 =	sadd.s32 s21, s3  }
0x9d: {  	[timem:s7], [sflag:s22] =	dma.local [hbm:s5], s20  }
0x9e: {  	_ =	swait.ge [sflag:s22], s20  }
0x9f: {  	s4 =	ssub.s32 $0x0, s20;
	[sflag:s22] =	ssyncset.done $0x0  }
0xa0: {  	[sflag:s22] =	ssyncadd.s32 s4;
	_ =	sdelay $0x1  }
0xa1: {  	s23 =	simm.s32 $0x1B8B  }
0xa2: {  	_ =	swait.ge [sflag:s23], $0x1  }
0xa3: {  	[sflag:s23] =	ssyncset.done $0x0  }
0xa4: {  	s25 =	simm.s32 $0x1B8E;
	s24 =	sld [smem:$0x3FFE];
	[sflag:s23] =	ssyncadd.s32 $0xFFFFFFFF  }
0xa5: {  	s26 =	simm.s32 $execute0_lowered;
	[smem:$0x3FD2] =	sst s25  }
0xa6: {  	s5 =	sshll.u32 s26, $0x1;
	_ =	strace $0x80000046;
	[dreg:$0x1] =	wrdreg $0xFFFFFFFF  }
0xa7: {  	s28 =	simm.s32 $_size_execute0_lowered;
	s3 =	sadd.s32 s3, s5;
	[dreg:$0x0] =	wrdreg $0x0  }
0xa8: {  	s5 =	sshll.u32 s28, $0x1;
	[dreg:$0x2] =	wrdreg s3  }
0xa9: {  	[dreg:$0x3] =	wrdreg s5  }
0xaa: {  	[dreg:$0x4] =	wrdreg $0xC0  }
0xab: {  	_ =	task [dreg:s7], $0x5FFFF  }
0xac: {  	[dreg:$0x1] =	wrdreg $0xFFFFFFFF  }
0xad: {  	[dreg:$0x0] =	wrdreg $0x60  }
0xae: {  	[dreg:$0x2] =	wrdreg s2  }
0xaf: {  	[dreg:$0x3] =	wrdreg s24  }
0xb0: {  	[dreg:$0x4] =	wrdreg $0x68000  }
0xb1: {  	[dreg:$0x5] =	wrdreg $0x9  }
0xb2: {  	_ =	task.clear_ibuf [dreg:s7], $0x6FFFF;
	_ =	strace $0x90000046  }
0xb3: {  	s29 =	simm.s32 $0x9;
	_ =	strace $0x80000048  }
0xb4: {  	_ =	swait.ge [sflag:s29], $0x1  }
0xb5: {  	[sflag:s29] =	ssyncadd.s32 $0xFFFFFFFF  }
0xb6: {  	_ =	strace $0x90000048  }
0xb7: {  	_ =	sfence  }
0xb8: {  	s30 =	sld [smem:$0x0];
	_ =	sdelay $0x2  }
0xb9: {  	s31 =	sshll.u32 s1, $0xD;
	s1 =	sshrl.u32 s1, $0x2  }
0xba: {  	s3 =	sand.u32 $0x4000, s31;
	s1 =	sadd.s32 s1, s30  }
0xbb: {  	s0 =	sor.u32 s3, s0;
	s1 =	sshll.u32 s1, $0x11  }
0xbc: {  	s0 =	sor.u32 s1, s0  }
0xbd: {  	s0 =	sadd.s32 $0x8F2B, s0  }
0xbe: {  	[sflag:s0] =	ssyncadd.remote.s32 $0x1  }
0xbf: {  	_ =	sfence.sel $0xFFFF  }
0xc0: {  	[dreg:$0x0] =	wrdreg $0xFFFFFFFF;
	(pc) =	sbr.abs _section_cstart, $3  }
0xc1: {  	[dreg:$0x1] =	wrdreg $0xFFFFFFFF  }
0xc2: {  	_ =	task.clear_ibuf [dreg:s7], $0x2FFFF;
	_ =	strace $0x9FFFFFFF  }
0xc3: {  	(tm) =	ssettm $0x7FFFFFFF  }
tec
execute0_lowered:
.L_overlay_start_1:
0x0: {  	(tag) =	ssettag $0x1  }
0x1: {  	s6 =	rddreg [dreg:$0x0]  }
0x2: {  	s4 =	rddreg [dreg:$0x1]  }
0x3: {  	s2 =	rddreg [dreg:$0x2];
	s0 =	stileid.u32  }
0x4: {  	s7 =	srdreg.scid;
	s5 =	smul.u32 $0x14000, s0  }
0x5: {  	s1 =	rddreg [dreg:$0x3];
	s3 =	simm.s32 $0x0;
	s10 =	smul.u32 $0x50000, s0  }
0x6: {  	s7 =	sand.u32 $0x1, s7;
	[smem:$0x7FF] =	sst s3;
	s12 =	smul.u32 $0x500, s0  }
0x7: {  	s31 =	sshll.u32 s0, $0x6;
	s9 =	smul.u32 $0x140000, s7;
	_ =	strace $0x80000047  }
0x8: {  	s29 =	ssub.s32 $0x2, s7;
	s7 =	smul.u32 $0x5000, s7;
	s8 =	sshrl.u32 s5, $0x3  }
0x9: {  	s11 =	sshrl.u32 s29, $0x1;
	s30 =	sshrl.u32 s10, $0x2;
	s8 =	sadd.s32 s8, s4  }
0xa: {  	s5 =	sadd.s32 s5, s9;
	s9 =	ssub.s32 s29, s11;
	s10 =	sadd.s32 s30, s2  }
0xb: {  	s7 =	sadd.s32 s12, s7;
	s11 =	simm.s32 $0x80;
	s5 =	sshrl.u32 s5, $0x3  }
0xc: {  	s12 =	simm.s32 $0x2800;
	s6 =	sadd.s32 s6, s7;
	s13 =	sadd.s32 s5, s4  }
0xd: {  	s4 =	sadd.s32 $0x1400, s8;
	s5 =	sor.u32 $0x1C01, s31;
	s8 =	smax.u32 s9, $0x1  }
0xe: {  	v0 =	vimm.f32 $1.000000000e+00;
	s9 =	sshrl.u32 s10, $0x3;
	s10 =	simm.s32 $0x1;
	s7 =	sadd.s32 $0x29400, s13  }
.LBB2_1:
0xf: {  	s13 =	simm.s32 $0x200;
	s14 =	simm.s32 $0x0  }
.LBB2_2:
0x10: {  	p0 =	sne.s32 s13, $0xFE00;
	[tilespmem:s14+$0x2800] =	vst v0;
	s14 =	smov.u32 s13;
	s13 =	sadd.s32 $0x200, s13  }
.Ltmp0:
0x11: {  	(pc) =	sbr.rel @p0 .LBB2_2-.Ltmp0, $2  }
0x12: {  	_ =	sdelay $0x2  }
0x13: {  	s14 =	sshra.s32 s14, $0x2  }
0x14: {  	[tilespmem:s14+$0x2800] =	vst v0  }
0x15: {  	[spmem:s9], [sflag:s5] =	dma.local [hbm:s4], $0x2800  }
0x16: {  	_ =	swait.ge [sflag:s10], $0x2800  }
0x17: {  	[sflag:s10] =	ssyncset.done $0x0  }
0x18: {  	[sflag:s10] =	ssyncadd.s32 $0xFFFFD800  }
0x19: {  	s13 =	simm.s32 $0x0;
	[bflag:$0x0] =	sbarrier.arrive $0xFFFF  }
0x1a: {  	[tilespmem:s13], [sflag:$0x1] =	stream.linear.gather [hbm4b:s6+s13], $0x2800, $0x38;
	[tilespmem:$0x9000] =	vst v63  }
0x1b: {  	_ =	swait.ge [sflag:s10], $0x2800  }
0x1c: {  	[sflag:s10] =	ssyncset.done $0x0  }
0x1d: {  	s31 =	simm.s32 $0x0;
	[sflag:s10] =	ssyncadd.s32 $0xFFFFD800  }
0x1e: {  	[spmem:s2] =	stream.indirect.scatter.add.f32 [tilespmem:s12], [sflag:$0x1], $0x10, s31, s11, $0xb8;
	[tilespmem:$0x9000] =	vst v63  }
0x1f: {  	_ =	swait.ge [sflag:s10], $0x800  }
0x20: {  	s13 =	simm.s32 $0x200;
	[sflag:s10] =	ssyncset.done $0x0  }
.LBB2_4:
0x21: {  	s14 =	sshra.s32 s13, $0x2;
	[sflag:s10] =	ssyncadd.s32 $0xFFFFF800;
	p0 =	sne.s32 s13, $0x9E00  }
0x22: {  	[spmem:s2] =	stream.indirect.scatter.add.f32 [tilespmem:s12], [sflag:$0x1], $0x10, s14, s11, $0xb8;
	[tilespmem:$0x9000] =	vst v63  }
.Ltmp1:
0x23: {  	_ = 	snop;
	(pc) =	sbr.rel @p0 .LBB2_4-.Ltmp1, $4  }
0x24: {  	_ = 	snop  }
0x25: {  	s13 =	sadd.s32 $0x200, s13  }
0x26: {  	_ =	swait.ge [sflag:s10], $0x800  }
0x27: {  	[sflag:s10] =	ssyncset.done $0x0  }
0x28: {  	s3 =	sadd.s32 $0x1, s3  }
0x29: {  	[sflag:s10] =	ssyncadd.s32 $0xFFFFF800;
	p0 =	sne.s32 s3, s8  }
.Ltmp2:
0x2a: {  	[bflag:$0x0] =	sbarrier.arrive $0xFFFF;
	(pc) =	sbr.rel @p0 .LBB2_1-.Ltmp2, $4  }
0x2b: {  	[hbm:s7], [sflag:s5] =	dma.local [spmem:s9], $0x2800  }
0x2c: {  	_ =	swait.ge [sflag:s10], $0x2800  }
0x2d: {  	[sflag:s10] =	ssyncset.done $0x0  }
0x2e: {  	[sflag:s10] =	ssyncadd.s32 $0xFFFFD800  }
0x2f: {  	_ =	sfence.sel $0x180000  }
0x30: {  	[bflag:$0x0] =	sbarrier.arrive $0xFFFF  }
0x31: {  	p0 =	sne.s32 s0, $0x0;
	_ =	strace $0x90000047  }
0x32: {  	s0 =	sadd.s32 @!p0 $0x100000, s1;
	[bflag:$0x2] =	sbarrier.arrive $0xFFFF  }
0x33: {  	[sflag:s0] =	ssyncadd.tile.s32 @!p0 $0x1;
	_ =	shalt  }
.Lfunc_end2:
_tile_overlayer_lowered:
.L_overlay_start_2:
0x34: {  	(tag) =	ssettag $0x2  }
0x35: {  	s0 =	rddreg [dreg:$0x0];
	s2 =	stileid.u32  }
0x36: {  	s1 =	rddreg [dreg:$0x1];
	p0 =	sne.s32 s2, $0x0  }
0x37: {  	s3 =	rddreg [dreg:$0x2];
	[bflag:$0x3] =	sbarrier.arrive $0xFFFF;
	s2 =	simm.s32 @!p0 $0x1C01  }
0x38: {  	[timem:s3], [sflag:s2] =	dma.local @!p0 [hbm:s0], s1  }
0x39: {  	s0 =	simm.s32 @!p0 $0x1  }
0x3a: {  	_ =	swait.ge @!p0 [sflag:s0], s1  }
0x3b: {  	s1 =	ssub.s32 @!p0 $0x0, s1;
	[sflag:s0] =	ssyncset.done @!p0 $0x0  }
0x3c: {  	[sflag:s0] =	ssyncadd.s32 @!p0 s1  }
0x3d: {  	[bflag:$0x3] =	sbarrier.arrive $0xFFFF  }
0x3e: {  	_ =	shalt  }

</sc_bundles>
